<compile_context>
chip_gen: v7x
topology: tpu7x:2x2x1
jax: 0.10.2.dev20260603
libtpu: 0.0.44.dev20260713+nightly
codegen_flags: <defaults>
</compile_context>

<pallas_src>
import functools

import jax
import jax.numpy as jnp
from jax import lax
from jax.experimental import pallas as pl
from jax.experimental.pallas import tpu as pltpu
from jax.experimental.pallas import tpu_sc as plsc

NUM_SPECIES = 100
EMBED_DIM = 16
N_NODES = 100000

NC = 2
NS = 16
NW = NC * NS

B_MAIN = 3200
B_TAIL = N_NODES - 31 * B_MAIN


@functools.cache
def _make_gather():
    mesh = plsc.VectorSubcoreMesh(
        core_axis_name="c", subcore_axis_name="s", num_cores=NC, num_subcores=NS
    )

    @functools.partial(
        pl.kernel,
        out_type=jax.ShapeDtypeStruct((EMBED_DIM, N_NODES), jnp.float32),
        mesh=mesh,
        scratch_types=[
            pltpu.VMEM((NUM_SPECIES * EMBED_DIM,), jnp.float32),
            pltpu.VMEM((B_MAIN,), jnp.int32),
            pltpu.VMEM((EMBED_DIM, B_MAIN), jnp.float32),
            pltpu.SemaphoreType.DMA,
        ],
        compiler_params=pltpu.CompilerParams(
            use_tc_tiling_on_sc=True, needs_layout_passes=False
        ),
    )
    def gather_kernel(table_hbm, idx_hbm, out_hbm, table_v, idx_v, col_v, sem):
        wid = lax.axis_index("s") * NC + lax.axis_index("c")
        base = wid * B_MAIN
        pltpu.sync_copy(table_hbm, table_v)

        def load_group(g16):
            idx16 = idx_v[pl.ds(g16, 16)]
            return tuple(
                plsc.load_gather(table_v, [idx16 + (c * NUM_SPECIES)])
                for c in range(EMBED_DIM)
            )

        def store_group(g16, vs):
            for c in range(EMBED_DIM):
                col_v[c, pl.ds(g16, 16)] = vs[c]

        def load_store_group(g16, prev_g16, prev):
            idx16 = idx_v[pl.ds(g16, 16)]
            new = []
            for c in range(EMBED_DIM):
                new.append(
                    plsc.load_gather(table_v, [idx16 + (c * NUM_SPECIES)])
                )
                col_v[c, pl.ds(prev_g16, 16)] = prev[c]
            return tuple(new)

        def do_rows(row0, count):
            def group_body(g, carry):
                prev_g16, prev = carry
                g16 = row0 + g * 16
                return (g16, load_store_group(g16, prev_g16, prev))

            carry = (row0, load_group(row0))
            carry = lax.fori_loop(1, count // 16, group_body, carry)
            store_group(*carry)

        def do_chunk(parts):
            n_rows = sum(parts)
            pltpu.sync_copy(
                idx_hbm.at[pl.ds(base, n_rows)], idx_v.at[pl.ds(0, n_rows)]
            )
            copies = []
            row0 = 0
            for part in parts:
                do_rows(row0, part)
                n_dma = ((part + 127) // 128) * 128
                copies.append(
                    pltpu.async_copy(
                        col_v.at[:, pl.ds(row0, n_dma)],
                        out_hbm.at[:, pl.ds(base + row0, n_dma)],
                        sem,
                    )
                )
                row0 += part
            for cp in copies:
                cp.wait()

        @pl.when(wid < NW - 1)
        def _():
            do_chunk((896, 768, 768, 768))

        @pl.when(wid == NW - 1)
        def _():
            do_chunk((B_TAIL,))

    return gather_kernel


@jax.jit
def kernel(species_index, embedding_table):
    table_t = embedding_table.T.reshape(NUM_SPECIES * EMBED_DIM)
    out_t = _make_gather()(table_t, species_index.astype(jnp.int32))
    return out_t.T

# --- scband reference (transcript-rebuilt; emitter-appended) ---
"""Pipeline reference for scband-species-embedding-73134703116696 (READ-ONLY COPY).

The authoritative reference and input builder live on the scoring server;
editing this copy changes nothing except your own understanding.
"""

import jax, jax.numpy as jnp
import numpy as np

NUM_SPECIES = 100
EMBED_DIM = 16
N_NODES = 100000


def setup_inputs(seed: int = 0) -> dict:
    key = jax.random.key(seed)
    k_idx, k_tab = jax.random.split(key)
    species_index = jax.random.randint(k_idx, (N_NODES,), 0, NUM_SPECIES, dtype=jnp.int64 if jax.config.jax_enable_x64 else jnp.int32)
    # nn.Embedding weight init: N(0, 1)
    embedding_table = jax.random.normal(k_tab, (NUM_SPECIES, EMBED_DIM), dtype=jnp.float32)
    return {"species_index": species_index, "embedding_table": embedding_table}


def reference(species_index, embedding_table):
    # Faithful translation of SpeciesEmbedding.forward when SPECIES_INDEX is
    # already present in data: a single embedding gather. The module stores the
    # same tensor under NODE_ATTRS and NODE_FEATURES (set_features=True), so we
    # return that tensor once.
    embed = jnp.take(embedding_table, species_index, axis=0)
    return embed

if __name__ == "__main__":
    import jax
    _d = setup_inputs()
    print(jax.jit(kernel)(*tuple(_d.values())))

</pallas_src>

<mosaic_0001>
#map = affine_map<(d0, d1) -> (0)>
#map1 = affine_map<(d0, d1) -> (0, 0)>
module attributes {stable_mosaic.version = 14 : i64} {
  func.func @gather_kernel(%arg0: i32, %arg1: i32, %arg2: memref<1600xf32, #tpu.memory_space<hbm>>, %arg3: memref<100000xi32, #tpu.memory_space<hbm>>, %arg4: memref<16x100000xf32, #tpu.memory_space<hbm>>, %arg5: memref<1600xf32, #tpu.memory_space<vmem>>, %arg6: memref<3200xi32, #tpu.memory_space<vmem>>, %arg7: memref<16x3200xf32, #tpu.memory_space<vmem>>, %arg8: memref<!tpu.dma_semaphore, #tpu.memory_space<semaphore_mem>>) attributes {dimension_semantics = [#tpu.dimension_semantics<core_parallel>, #tpu.dimension_semantics<subcore_parallel>], iteration_bounds = array<i64: 2, 16>, scalar_prefetch = 0 : i64, scratch_operands = 4 : i64, tpu.core_type = #tpu.core_type<sc_vector_subcore>, window_params = [{transform_indices = #map}, {transform_indices = #map}, {transform_indices = #map1}]} {
    %mul3A = arith.constant 2 : i32
    %mul3A_0 = arith.muli %arg1, %mul3A : i32
    %add3A = arith.addi %mul3A_0, %arg0 : i32
    %mul3A_1 = arith.constant 3200 : i32
    %mul3A_2 = arith.muli %add3A, %mul3A_1 : i32
    "tpu.region"() ({
      %run_scoped3A = tpu.sem_alloc : memref<!tpu.dma_semaphore, #tpu.memory_space<semaphore_mem>>
      tpu.enqueue_dma source(%arg2 : memref<1600xf32, #tpu.memory_space<hbm>>) target(%arg5 : memref<1600xf32, #tpu.memory_space<vmem>>) target_semaphore(%run_scoped3A : memref<!tpu.dma_semaphore, #tpu.memory_space<semaphore_mem>>)
      tpu.wait_dma2 semaphore(%run_scoped3A : memref<!tpu.dma_semaphore, #tpu.memory_space<semaphore_mem>>) src(%arg2 : memref<1600xf32, #tpu.memory_space<hbm>>) dst(%arg5 : memref<1600xf32, #tpu.memory_space<vmem>>)
      tpu.yield
    }) : () -> ()
    %lt3A = arith.constant 31 : i32
    %lt3A_3 = arith.cmpi slt, %add3A, %lt3A : i32
    %convert_element_type3A = arith.extui %lt3A_3 : i1 to i32
    %cond3A = arith.constant 0 : i32
    %cond3A_4 = arith.cmpi ne, %convert_element_type3A, %cond3A : i32
    scf.if %cond3A_4 {
      "tpu.region"() ({
        %run_scoped3A = tpu.sem_alloc : memref<!tpu.dma_semaphore, #tpu.memory_space<semaphore_mem>>
        %dma_start3A_639 = arith.constant 0 : i32
        %dma_start3A_640 = tpu.memref_slice %arg6[%dma_start3A_639] : memref<3200xi32, #tpu.memory_space<vmem>> -> memref<3200xi32, #tpu.memory_space<vmem>>
        %dma_start3A_641 = tpu.memref_slice %arg3[%mul3A_2] : memref<100000xi32, #tpu.memory_space<hbm>> -> memref<3200xi32, #tpu.memory_space<hbm>>
        %dma_start3A_642 = arith.constant 0 : i32
        %dma_start3A_643 = tpu.memref_slice %arg6[%dma_start3A_642] : memref<3200xi32, #tpu.memory_space<vmem>> -> memref<3200xi32, #tpu.memory_space<vmem>>
        %dma_start3A_644 = tpu.memref_slice %arg3[%mul3A_2] : memref<100000xi32, #tpu.memory_space<hbm>> -> memref<3200xi32, #tpu.memory_space<hbm>>
        tpu.enqueue_dma source(%dma_start3A_644 : memref<3200xi32, #tpu.memory_space<hbm>>) target(%dma_start3A_643 : memref<3200xi32, #tpu.memory_space<vmem>>) target_semaphore(%run_scoped3A : memref<!tpu.dma_semaphore, #tpu.memory_space<semaphore_mem>>)
        %dma_wait3A_645 = arith.constant 0 : i32
        %dma_wait3A_646 = tpu.memref_slice %arg6[%dma_wait3A_645] : memref<3200xi32, #tpu.memory_space<vmem>> -> memref<3200xi32, #tpu.memory_space<vmem>>
        %dma_wait3A_647 = tpu.memref_slice %arg3[%mul3A_2] : memref<100000xi32, #tpu.memory_space<hbm>> -> memref<3200xi32, #tpu.memory_space<hbm>>
        %dma_wait3A_648 = arith.constant 0 : i32
        %dma_wait3A_649 = tpu.memref_slice %arg6[%dma_wait3A_648] : memref<3200xi32, #tpu.memory_space<vmem>> -> memref<3200xi32, #tpu.memory_space<vmem>>
        %dma_wait3A_650 = tpu.memref_slice %arg3[%mul3A_2] : memref<100000xi32, #tpu.memory_space<hbm>> -> memref<3200xi32, #tpu.memory_space<hbm>>
        tpu.wait_dma2 semaphore(%run_scoped3A : memref<!tpu.dma_semaphore, #tpu.memory_space<semaphore_mem>>) src(%dma_wait3A_650 : memref<3200xi32, #tpu.memory_space<hbm>>) dst(%dma_wait3A_649 : memref<3200xi32, #tpu.memory_space<vmem>>)
        tpu.yield
      }) : () -> ()
      %get3A = arith.constant 0 : index
      %get3A_9 = tpu.vector_load %arg6[%get3A] {strides = array<i32>} : memref<3200xi32, #tpu.memory_space<vmem>>, vector<16xi32>,
      %add3A_10 = arith.constant 0 : i32
      %add3A_11 = vector.broadcast %add3A_10 : i32 to vector<16xi32>
      %add3A_12 = arith.addi %get3A_9, %add3A_11 : vector<16xi32>
      %gather3A = tpu.vector_load_idx %arg5[%add3A_12] : memref<1600xf32, #tpu.memory_space<vmem>>[vector<16xi32>], vector<16xf32>,
      %add3A_13 = arith.constant 100 : i32
      %add3A_14 = vector.broadcast %add3A_13 : i32 to vector<16xi32>
      %add3A_15 = arith.addi %get3A_9, %add3A_14 : vector<16xi32>
      %gather3A_16 = tpu.vector_load_idx %arg5[%add3A_15] : memref<1600xf32, #tpu.memory_space<vmem>>[vector<16xi32>], vector<16xf32>,
      %add3A_17 = arith.constant 200 : i32
      %add3A_18 = vector.broadcast %add3A_17 : i32 to vector<16xi32>
      %add3A_19 = arith.addi %get3A_9, %add3A_18 : vector<16xi32>
      %gather3A_20 = tpu.vector_load_idx %arg5[%add3A_19] : memref<1600xf32, #tpu.memory_space<vmem>>[vector<16xi32>], vector<16xf32>,
      %add3A_21 = arith.constant 300 : i32
      %add3A_22 = vector.broadcast %add3A_21 : i32 to vector<16xi32>
      %add3A_23 = arith.addi %get3A_9, %add3A_22 : vector<16xi32>
      %gather3A_24 = tpu.vector_load_idx %arg5[%add3A_23] : memref<1600xf32, #tpu.memory_space<vmem>>[vector<16xi32>], vector<16xf32>,
      %add3A_25 = arith.constant 400 : i32
      %add3A_26 = vector.broadcast %add3A_25 : i32 to vector<16xi32>
      %add3A_27 = arith.addi %get3A_9, %add3A_26 : vector<16xi32>
      %gather3A_28 = tpu.vector_load_idx %arg5[%add3A_27] : memref<1600xf32, #tpu.memory_space<vmem>>[vector<16xi32>], vector<16xf32>,
      %add3A_29 = arith.constant 500 : i32
      %add3A_30 = vector.broadcast %add3A_29 : i32 to vector<16xi32>
      %add3A_31 = arith.addi %get3A_9, %add3A_30 : vector<16xi32>
      %gather3A_32 = tpu.vector_load_idx %arg5[%add3A_31] : memref<1600xf32, #tpu.memory_space<vmem>>[vector<16xi32>], vector<16xf32>,
      %add3A_33 = arith.constant 600 : i32
      %add3A_34 = vector.broadcast %add3A_33 : i32 to vector<16xi32>
      %add3A_35 = arith.addi %get3A_9, %add3A_34 : vector<16xi32>
      %gather3A_36 = tpu.vector_load_idx %arg5[%add3A_35] : memref<1600xf32, #tpu.memory_space<vmem>>[vector<16xi32>], vector<16xf32>,
      %add3A_37 = arith.constant 700 : i32
      %add3A_38 = vector.broadcast %add3A_37 : i32 to vector<16xi32>
      %add3A_39 = arith.addi %get3A_9, %add3A_38 : vector<16xi32>
      %gather3A_40 = tpu.vector_load_idx %arg5[%add3A_39] : memref<1600xf32, #tpu.memory_space<vmem>>[vector<16xi32>], vector<16xf32>,
      %add3A_41 = arith.constant 800 : i32
      %add3A_42 = vector.broadcast %add3A_41 : i32 to vector<16xi32>
      %add3A_43 = arith.addi %get3A_9, %add3A_42 : vector<16xi32>
      %gather3A_44 = tpu.vector_load_idx %arg5[%add3A_43] : memref<1600xf32, #tpu.memory_space<vmem>>[vector<16xi32>], vector<16xf32>,
      %add3A_45 = arith.constant 900 : i32
      %add3A_46 = vector.broadcast %add3A_45 : i32 to vector<16xi32>
      %add3A_47 = arith.addi %get3A_9, %add3A_46 : vector<16xi32>
      %gather3A_48 = tpu.vector_load_idx %arg5[%add3A_47] : memref<1600xf32, #tpu.memory_space<vmem>>[vector<16xi32>], vector<16xf32>,
      %add3A_49 = arith.constant 1000 : i32
      %add3A_50 = vector.broadcast %add3A_49 : i32 to vector<16xi32>
      %add3A_51 = arith.addi %get3A_9, %add3A_50 : vector<16xi32>
      %gather3A_52 = tpu.vector_load_idx %arg5[%add3A_51] : memref<1600xf32, #tpu.memory_space<vmem>>[vector<16xi32>], vector<16xf32>,
      %add3A_53 = arith.constant 1100 : i32
      %add3A_54 = vector.broadcast %add3A_53 : i32 to vector<16xi32>
      %add3A_55 = arith.addi %get3A_9, %add3A_54 : vector<16xi32>
      %gather3A_56 = tpu.vector_load_idx %arg5[%add3A_55] : memref<1600xf32, #tpu.memory_space<vmem>>[vector<16xi32>], vector<16xf32>,
      %add3A_57 = arith.constant 1200 : i32
      %add3A_58 = vector.broadcast %add3A_57 : i32 to vector<16xi32>
      %add3A_59 = arith.addi %get3A_9, %add3A_58 : vector<16xi32>
      %gather3A_60 = tpu.vector_load_idx %arg5[%add3A_59] : memref<1600xf32, #tpu.memory_space<vmem>>[vector<16xi32>], vector<16xf32>,
      %add3A_61 = arith.constant 1300 : i32
      %add3A_62 = vector.broadcast %add3A_61 : i32 to vector<16xi32>
      %add3A_63 = arith.addi %get3A_9, %add3A_62 : vector<16xi32>
      %gather3A_64 = tpu.vector_load_idx %arg5[%add3A_63] : memref<1600xf32, #tpu.memory_space<vmem>>[vector<16xi32>], vector<16xf32>,
      %add3A_65 = arith.constant 1400 : i32
      %add3A_66 = vector.broadcast %add3A_65 : i32 to vector<16xi32>
      %add3A_67 = arith.addi %get3A_9, %add3A_66 : vector<16xi32>
      %gather3A_68 = tpu.vector_load_idx %arg5[%add3A_67] : memref<1600xf32, #tpu.memory_space<vmem>>[vector<16xi32>], vector<16xf32>,
      %add3A_69 = arith.constant 1500 : i32
      %add3A_70 = vector.broadcast %add3A_69 : i32 to vector<16xi32>
      %add3A_71 = arith.addi %get3A_9, %add3A_70 : vector<16xi32>
      %gather3A_72 = tpu.vector_load_idx %arg5[%add3A_71] : memref<1600xf32, #tpu.memory_space<vmem>>[vector<16xi32>], vector<16xf32>,
      %scan3A = arith.constant 0 : i32
      %scan3A_73 = arith.constant 1 : i32
      %scan3A_74 = arith.constant 55 : i32
      %scan3A_75 = arith.addi %scan3A_73, %scan3A_74 : i32
      %scan3A_76 = arith.constant 1 : i32
      %scan3A_77:17 = scf.for %scan3A_639 = %scan3A_73 to %scan3A_75 step %scan3A_76 iter_args(%scan3A_640 = %scan3A, %scan3A_641 = %gather3A, %scan3A_642 = %gather3A_16, %scan3A_643 = %gather3A_20, %scan3A_644 = %gather3A_24, %scan3A_645 = %gather3A_28, %scan3A_646 = %gather3A_32, %scan3A_647 = %gather3A_36, %scan3A_648 = %gather3A_40, %scan3A_649 = %gather3A_44, %scan3A_650 = %gather3A_48, %scan3A_651 = %gather3A_52, %scan3A_652 = %gather3A_56, %scan3A_653 = %gather3A_60, %scan3A_654 = %gather3A_64, %scan3A_655 = %gather3A_68, %scan3A_656 = %gather3A_72) -> (i32, vector<16xf32>, vector<16xf32>, vector<16xf32>, vector<16xf32>, vector<16xf32>, vector<16xf32>, vector<16xf32>, vector<16xf32>, vector<16xf32>, vector<16xf32>, vector<16xf32>, vector<16xf32>, vector<16xf32>, vector<16xf32>, vector<16xf32>, vector<16xf32>)  : i32 {
        %mul3A_657 = arith.constant 16 : i32
        %mul3A_658 = arith.muli %scan3A_639, %mul3A_657 : i32
        %add3A_659 = arith.constant 0 : i32
        %add3A_660 = arith.addi %add3A_659, %mul3A_658 : i32
        %get3A_661 = arith.index_cast %add3A_660 : i32 to index
        %get3A_662 = tpu.vector_load %arg6[%get3A_661] {strides = array<i32>} : memref<3200xi32, #tpu.memory_space<vmem>>, vector<16xi32>,
        %add3A_663 = arith.constant 0 : i32
        %add3A_664 = vector.broadcast %add3A_663 : i32 to vector<16xi32>
        %add3A_665 = arith.addi %get3A_662, %add3A_664 : vector<16xi32>
        %gather3A_666 = tpu.vector_load_idx %arg5[%add3A_665] : memref<1600xf32, #tpu.memory_space<vmem>>[vector<16xi32>], vector<16xf32>,
        %swap3A_667 = arith.constant 0 : i32
        %swap3A_668 = arith.index_cast %swap3A_667 : i32 to index
        %swap3A_669 = arith.index_cast %scan3A_640 : i32 to index
        %swap3A_670 = tpu.vector_load %arg7[%swap3A_668, %swap3A_669] {strides = array<i32>} : memref<16x3200xf32, #tpu.memory_space<vmem>>, vector<16xf32>,
        tpu.vector_store %arg7[%swap3A_668, %swap3A_669], %scan3A_641 {strides = array<i32>} : memref<16x3200xf32, #tpu.memory_space<vmem>>, vector<16xf32>,
        %add3A_671 = arith.constant 100 : i32
        %add3A_672 = vector.broadcast %add3A_671 : i32 to vector<16xi32>
        %add3A_673 = arith.addi %get3A_662, %add3A_672 : vector<16xi32>
        %gather3A_674 = tpu.vector_load_idx %arg5[%add3A_673] : memref<1600xf32, #tpu.memory_space<vmem>>[vector<16xi32>], vector<16xf32>,
        %swap3A_675 = arith.constant 1 : i32
        %swap3A_676 = arith.index_cast %swap3A_675 : i32 to index
        %swap3A_677 = arith.index_cast %scan3A_640 : i32 to index
        %swap3A_678 = tpu.vector_load %arg7[%swap3A_676, %swap3A_677] {strides = array<i32>} : memref<16x3200xf32, #tpu.memory_space<vmem>>, vector<16xf32>,
        tpu.vector_store %arg7[%swap3A_676, %swap3A_677], %scan3A_642 {strides = array<i32>} : memref<16x3200xf32, #tpu.memory_space<vmem>>, vector<16xf32>,
        %add3A_679 = arith.constant 200 : i32
        %add3A_680 = vector.broadcast %add3A_679 : i32 to vector<16xi32>
        %add3A_681 = arith.addi %get3A_662, %add3A_680 : vector<16xi32>
        %gather3A_682 = tpu.vector_load_idx %arg5[%add3A_681] : memref<1600xf32, #tpu.memory_space<vmem>>[vector<16xi32>], vector<16xf32>,
        %swap3A_683 = arith.constant 2 : i32
        %swap3A_684 = arith.index_cast %swap3A_683 : i32 to index
        %swap3A_685 = arith.index_cast %scan3A_640 : i32 to index
        %swap3A_686 = tpu.vector_load %arg7[%swap3A_684, %swap3A_685] {strides = array<i32>} : memref<16x3200xf32, #tpu.memory_space<vmem>>, vector<16xf32>,
        tpu.vector_store %arg7[%swap3A_684, %swap3A_685], %scan3A_643 {strides = array<i32>} : memref<16x3200xf32, #tpu.memory_space<vmem>>, vector<16xf32>,
        %add3A_687 = arith.constant 300 : i32
        %add3A_688 = vector.broadcast %add3A_687 : i32 to vector<16xi32>
        %add3A_689 = arith.addi %get3A_662, %add3A_688 : vector<16xi32>
        %gather3A_690 = tpu.vector_load_idx %arg5[%add3A_689] : memref<1600xf32, #tpu.memory_space<vmem>>[vector<16xi32>], vector<16xf32>,
        %swap3A_691 = arith.constant 3 : i32
        %swap3A_692 = arith.index_cast %swap3A_691 : i32 to index
        %swap3A_693 = arith.index_cast %scan3A_640 : i32 to index
        %swap3A_694 = tpu.vector_load %arg7[%swap3A_692, %swap3A_693] {strides = array<i32>} : memref<16x3200xf32, #tpu.memory_space<vmem>>, vector<16xf32>,
        tpu.vector_store %arg7[%swap3A_692, %swap3A_693], %scan3A_644 {strides = array<i32>} : memref<16x3200xf32, #tpu.memory_space<vmem>>, vector<16xf32>,
        %add3A_695 = arith.constant 400 : i32
        %add3A_696 = vector.broadcast %add3A_695 : i32 to vector<16xi32>
        %add3A_697 = arith.addi %get3A_662, %add3A_696 : vector<16xi32>
        %gather3A_698 = tpu.vector_load_idx %arg5[%add3A_697] : memref<1600xf32, #tpu.memory_space<vmem>>[vector<16xi32>], vector<16xf32>,
        %swap3A_699 = arith.constant 4 : i32
        %swap3A_700 = arith.index_cast %swap3A_699 : i32 to index
        %swap3A_701 = arith.index_cast %scan3A_640 : i32 to index
        %swap3A_702 = tpu.vector_load %arg7[%swap3A_700, %swap3A_701] {strides = array<i32>} : memref<16x3200xf32, #tpu.memory_space<vmem>>, vector<16xf32>,
        tpu.vector_store %arg7[%swap3A_700, %swap3A_701], %scan3A_645 {strides = array<i32>} : memref<16x3200xf32, #tpu.memory_space<vmem>>, vector<16xf32>,
        %add3A_703 = arith.constant 500 : i32
        %add3A_704 = vector.broadcast %add3A_703 : i32 to vector<16xi32>
        %add3A_705 = arith.addi %get3A_662, %add3A_704 : vector<16xi32>
        %gather3A_706 = tpu.vector_load_idx %arg5[%add3A_705] : memref<1600xf32, #tpu.memory_space<vmem>>[vector<16xi32>], vector<16xf32>,
        %swap3A_707 = arith.constant 5 : i32
        %swap3A_708 = arith.index_cast %swap3A_707 : i32 to index
        %swap3A_709 = arith.index_cast %scan3A_640 : i32 to index
        %swap3A_710 = tpu.vector_load %arg7[%swap3A_708, %swap3A_709] {strides = array<i32>} : memref<16x3200xf32, #tpu.memory_space<vmem>>, vector<16xf32>,
        tpu.vector_store %arg7[%swap3A_708, %swap3A_709], %scan3A_646 {strides = array<i32>} : memref<16x3200xf32, #tpu.memory_space<vmem>>, vector<16xf32>,
        %add3A_711 = arith.constant 600 : i32
        %add3A_712 = vector.broadcast %add3A_711 : i32 to vector<16xi32>
        %add3A_713 = arith.addi %get3A_662, %add3A_712 : vector<16xi32>
        %gather3A_714 = tpu.vector_load_idx %arg5[%add3A_713] : memref<1600xf32, #tpu.memory_space<vmem>>[vector<16xi32>], vector<16xf32>,
        %swap3A_715 = arith.constant 6 : i32
        %swap3A_716 = arith.index_cast %swap3A_715 : i32 to index
        %swap3A_717 = arith.index_cast %scan3A_640 : i32 to index
        %swap3A_718 = tpu.vector_load %arg7[%swap3A_716, %swap3A_717] {strides = array<i32>} : memref<16x3200xf32, #tpu.memory_space<vmem>>, vector<16xf32>,
        tpu.vector_store %arg7[%swap3A_716, %swap3A_717], %scan3A_647 {strides = array<i32>} : memref<16x3200xf32, #tpu.memory_space<vmem>>, vector<16xf32>,
        %add3A_719 = arith.constant 700 : i32
        %add3A_720 = vector.broadcast %add3A_719 : i32 to vector<16xi32>
        %add3A_721 = arith.addi %get3A_662, %add3A_720 : vector<16xi32>
        %gather3A_722 = tpu.vector_load_idx %arg5[%add3A_721] : memref<1600xf32, #tpu.memory_space<vmem>>[vector<16xi32>], vector<16xf32>,
        %swap3A_723 = arith.constant 7 : i32
        %swap3A_724 = arith.index_cast %swap3A_723 : i32 to index
        %swap3A_725 = arith.index_cast %scan3A_640 : i32 to index
        %swap3A_726 = tpu.vector_load %arg7[%swap3A_724, %swap3A_725] {strides = array<i32>} : memref<16x3200xf32, #tpu.memory_space<vmem>>, vector<16xf32>,
        tpu.vector_store %arg7[%swap3A_724, %swap3A_725], %scan3A_648 {strides = array<i32>} : memref<16x3200xf32, #tpu.memory_space<vmem>>, vector<16xf32>,
        %add3A_727 = arith.constant 800 : i32
        %add3A_728 = vector.broadcast %add3A_727 : i32 to vector<16xi32>
        %add3A_729 = arith.addi %get3A_662, %add3A_728 : vector<16xi32>
        %gather3A_730 = tpu.vector_load_idx %arg5[%add3A_729] : memref<1600xf32, #tpu.memory_space<vmem>>[vector<16xi32>], vector<16xf32>,
        %swap3A_731 = arith.constant 8 : i32
        %swap3A_732 = arith.index_cast %swap3A_731 : i32 to index
        %swap3A_733 = arith.index_cast %scan3A_640 : i32 to index
        %swap3A_734 = tpu.vector_load %arg7[%swap3A_732, %swap3A_733] {strides = array<i32>} : memref<16x3200xf32, #tpu.memory_space<vmem>>, vector<16xf32>,
        tpu.vector_store %arg7[%swap3A_732, %swap3A_733], %scan3A_649 {strides = array<i32>} : memref<16x3200xf32, #tpu.memory_space<vmem>>, vector<16xf32>,
        %add3A_735 = arith.constant 900 : i32
        %add3A_736 = vector.broadcast %add3A_735 : i32 to vector<16xi32>
        %add3A_737 = arith.addi %get3A_662, %add3A_736 : vector<16xi32>
        %gather3A_738 = tpu.vector_load_idx %arg5[%add3A_737] : memref<1600xf32, #tpu.memory_space<vmem>>[vector<16xi32>], vector<16xf32>,
        %swap3A_739 = arith.constant 9 : i32
        %swap3A_740 = arith.index_cast %swap3A_739 : i32 to index
        %swap3A_741 = arith.index_cast %scan3A_640 : i32 to index
        %swap3A_742 = tpu.vector_load %arg7[%swap3A_740, %swap3A_741] {strides = array<i32>} : memref<16x3200xf32, #tpu.memory_space<vmem>>, vector<16xf32>,
        tpu.vector_store %arg7[%swap3A_740, %swap3A_741], %scan3A_650 {strides = array<i32>} : memref<16x3200xf32, #tpu.memory_space<vmem>>, vector<16xf32>,
        %add3A_743 = arith.constant 1000 : i32
        %add3A_744 = vector.broadcast %add3A_743 : i32 to vector<16xi32>
        %add3A_745 = arith.addi %get3A_662, %add3A_744 : vector<16xi32>
        %gather3A_746 = tpu.vector_load_idx %arg5[%add3A_745] : memref<1600xf32, #tpu.memory_space<vmem>>[vector<16xi32>], vector<16xf32>,
        %swap3A_747 = arith.constant 10 : i32
        %swap3A_748 = arith.index_cast %swap3A_747 : i32 to index
        %swap3A_749 = arith.index_cast %scan3A_640 : i32 to index
        %swap3A_750 = tpu.vector_load %arg7[%swap3A_748, %swap3A_749] {strides = array<i32>} : memref<16x3200xf32, #tpu.memory_space<vmem>>, vector<16xf32>,
        tpu.vector_store %arg7[%swap3A_748, %swap3A_749], %scan3A_651 {strides = array<i32>} : memref<16x3200xf32, #tpu.memory_space<vmem>>, vector<16xf32>,
        %add3A_751 = arith.constant 1100 : i32
        %add3A_752 = vector.broadcast %add3A_751 : i32 to vector<16xi32>
        %add3A_753 = arith.addi %get3A_662, %add3A_752 : vector<16xi32>
        %gather3A_754 = tpu.vector_load_idx %arg5[%add3A_753] : memref<1600xf32, #tpu.memory_space<vmem>>[vector<16xi32>], vector<16xf32>,
        %swap3A_755 = arith.constant 11 : i32
        %swap3A_756 = arith.index_cast %swap3A_755 : i32 to index
        %swap3A_757 = arith.index_cast %scan3A_640 : i32 to index
        %swap3A_758 = tpu.vector_load %arg7[%swap3A_756, %swap3A_757] {strides = array<i32>} : memref<16x3200xf32, #tpu.memory_space<vmem>>, vector<16xf32>,
        tpu.vector_store %arg7[%swap3A_756, %swap3A_757], %scan3A_652 {strides = array<i32>} : memref<16x3200xf32, #tpu.memory_space<vmem>>, vector<16xf32>,
        %add3A_759 = arith.constant 1200 : i32
        %add3A_760 = vector.broadcast %add3A_759 : i32 to vector<16xi32>
        %add3A_761 = arith.addi %get3A_662, %add3A_760 : vector<16xi32>
        %gather3A_762 = tpu.vector_load_idx %arg5[%add3A_761] : memref<1600xf32, #tpu.memory_space<vmem>>[vector<16xi32>], vector<16xf32>,
        %swap3A_763 = arith.constant 12 : i32
        %swap3A_764 = arith.index_cast %swap3A_763 : i32 to index
        %swap3A_765 = arith.index_cast %scan3A_640 : i32 to index
        %swap3A_766 = tpu.vector_load %arg7[%swap3A_764, %swap3A_765] {strides = array<i32>} : memref<16x3200xf32, #tpu.memory_space<vmem>>, vector<16xf32>,
        tpu.vector_store %arg7[%swap3A_764, %swap3A_765], %scan3A_653 {strides = array<i32>} : memref<16x3200xf32, #tpu.memory_space<vmem>>, vector<16xf32>,
        %add3A_767 = arith.constant 1300 : i32
        %add3A_768 = vector.broadcast %add3A_767 : i32 to vector<16xi32>
        %add3A_769 = arith.addi %get3A_662, %add3A_768 : vector<16xi32>
        %gather3A_770 = tpu.vector_load_idx %arg5[%add3A_769] : memref<1600xf32, #tpu.memory_space<vmem>>[vector<16xi32>], vector<16xf32>,
        %swap3A_771 = arith.constant 13 : i32
        %swap3A_772 = arith.index_cast %swap3A_771 : i32 to index
        %swap3A_773 = arith.index_cast %scan3A_640 : i32 to index
        %swap3A_774 = tpu.vector_load %arg7[%swap3A_772, %swap3A_773] {strides = array<i32>} : memref<16x3200xf32, #tpu.memory_space<vmem>>, vector<16xf32>,
        tpu.vector_store %arg7[%swap3A_772, %swap3A_773], %scan3A_654 {strides = array<i32>} : memref<16x3200xf32, #tpu.memory_space<vmem>>, vector<16xf32>,
        %add3A_775 = arith.constant 1400 : i32
        %add3A_776 = vector.broadcast %add3A_775 : i32 to vector<16xi32>
        %add3A_777 = arith.addi %get3A_662, %add3A_776 : vector<16xi32>
        %gather3A_778 = tpu.vector_load_idx %arg5[%add3A_777] : memref<1600xf32, #tpu.memory_space<vmem>>[vector<16xi32>], vector<16xf32>,
        %swap3A_779 = arith.constant 14 : i32
        %swap3A_780 = arith.index_cast %swap3A_779 : i32 to index
        %swap3A_781 = arith.index_cast %scan3A_640 : i32 to index
        %swap3A_782 = tpu.vector_load %arg7[%swap3A_780, %swap3A_781] {strides = array<i32>} : memref<16x3200xf32, #tpu.memory_space<vmem>>, vector<16xf32>,
        tpu.vector_store %arg7[%swap3A_780, %swap3A_781], %scan3A_655 {strides = array<i32>} : memref<16x3200xf32, #tpu.memory_space<vmem>>, vector<16xf32>,
        %add3A_783 = arith.constant 1500 : i32
        %add3A_784 = vector.broadcast %add3A_783 : i32 to vector<16xi32>
        %add3A_785 = arith.addi %get3A_662, %add3A_784 : vector<16xi32>
        %gather3A_786 = tpu.vector_load_idx %arg5[%add3A_785] : memref<1600xf32, #tpu.memory_space<vmem>>[vector<16xi32>], vector<16xf32>,
        %swap3A_787 = arith.constant 15 : i32
        %swap3A_788 = arith.index_cast %swap3A_787 : i32 to index
        %swap3A_789 = arith.index_cast %scan3A_640 : i32 to index
        %swap3A_790 = tpu.vector_load %arg7[%swap3A_788, %swap3A_789] {strides = array<i32>} : memref<16x3200xf32, #tpu.memory_space<vmem>>, vector<16xf32>,
        tpu.vector_store %arg7[%swap3A_788, %swap3A_789], %scan3A_656 {strides = array<i32>} : memref<16x3200xf32, #tpu.memory_space<vmem>>, vector<16xf32>,
        scf.yield %add3A_660, %gather3A_666, %gather3A_674, %gather3A_682, %gather3A_690, %gather3A_698, %gather3A_706, %gather3A_714, %gather3A_722, %gather3A_730, %gather3A_738, %gather3A_746, %gather3A_754, %gather3A_762, %gather3A_770, %gather3A_778, %gather3A_786 : i32, vector<16xf32>, vector<16xf32>, vector<16xf32>, vector<16xf32>, vector<16xf32>, vector<16xf32>, vector<16xf32>, vector<16xf32>, vector<16xf32>, vector<16xf32>, vector<16xf32>, vector<16xf32>, vector<16xf32>, vector<16xf32>, vector<16xf32>, vector<16xf32>
      }
      %scan3A_78 = arith.constant 55 : i32
      %swap3A = arith.constant 0 : i32
      %swap3A_79 = arith.index_cast %swap3A : i32 to index
      %swap3A_80 = arith.index_cast %scan3A_77#0 : i32 to index
      %swap3A_81 = tpu.vector_load %arg7[%swap3A_79, %swap3A_80] {strides = array<i32>} : memref<16x3200xf32, #tpu.memory_space<vmem>>, vector<16xf32>,
      tpu.vector_store %arg7[%swap3A_79, %swap3A_80], %scan3A_77#1 {strides = array<i32>} : memref<16x3200xf32, #tpu.memory_space<vmem>>, vector<16xf32>,
      %swap3A_82 = arith.constant 1 : i32
      %swap3A_83 = arith.index_cast %swap3A_82 : i32 to index
      %swap3A_84 = arith.index_cast %scan3A_77#0 : i32 to index
      %swap3A_85 = tpu.vector_load %arg7[%swap3A_83, %swap3A_84] {strides = array<i32>} : memref<16x3200xf32, #tpu.memory_space<vmem>>, vector<16xf32>,
      tpu.vector_store %arg7[%swap3A_83, %swap3A_84], %scan3A_77#2 {strides = array<i32>} : memref<16x3200xf32, #tpu.memory_space<vmem>>, vector<16xf32>,
      %swap3A_86 = arith.constant 2 : i32
      %swap3A_87 = arith.index_cast %swap3A_86 : i32 to index
      %swap3A_88 = arith.index_cast %scan3A_77#0 : i32 to index
      %swap3A_89 = tpu.vector_load %arg7[%swap3A_87, %swap3A_88] {strides = array<i32>} : memref<16x3200xf32, #tpu.memory_space<vmem>>, vector<16xf32>,
      tpu.vector_store %arg7[%swap3A_87, %swap3A_88], %scan3A_77#3 {strides = array<i32>} : memref<16x3200xf32, #tpu.memory_space<vmem>>, vector<16xf32>,
      %swap3A_90 = arith.constant 3 : i32
      %swap3A_91 = arith.index_cast %swap3A_90 : i32 to index
      %swap3A_92 = arith.index_cast %scan3A_77#0 : i32 to index
      %swap3A_93 = tpu.vector_load %arg7[%swap3A_91, %swap3A_92] {strides = array<i32>} : memref<16x3200xf32, #tpu.memory_space<vmem>>, vector<16xf32>,
      tpu.vector_store %arg7[%swap3A_91, %swap3A_92], %scan3A_77#4 {strides = array<i32>} : memref<16x3200xf32, #tpu.memory_space<vmem>>, vector<16xf32>,
      %swap3A_94 = arith.constant 4 : i32
      %swap3A_95 = arith.index_cast %swap3A_94 : i32 to index
      %swap3A_96 = arith.index_cast %scan3A_77#0 : i32 to index
      %swap3A_97 = tpu.vector_load %arg7[%swap3A_95, %swap3A_96] {strides = array<i32>} : memref<16x3200xf32, #tpu.memory_space<vmem>>, vector<16xf32>,
      tpu.vector_store %arg7[%swap3A_95, %swap3A_96], %scan3A_77#5 {strides = array<i32>} : memref<16x3200xf32, #tpu.memory_space<vmem>>, vector<16xf32>,
      %swap3A_98 = arith.constant 5 : i32
      %swap3A_99 = arith.index_cast %swap3A_98 : i32 to index
      %swap3A_100 = arith.index_cast %scan3A_77#0 : i32 to index
      %swap3A_101 = tpu.vector_load %arg7[%swap3A_99, %swap3A_100] {strides = array<i32>} : memref<16x3200xf32, #tpu.memory_space<vmem>>, vector<16xf32>,
      tpu.vector_store %arg7[%swap3A_99, %swap3A_100], %scan3A_77#6 {strides = array<i32>} : memref<16x3200xf32, #tpu.memory_space<vmem>>, vector<16xf32>,
      %swap3A_102 = arith.constant 6 : i32
      %swap3A_103 = arith.index_cast %swap3A_102 : i32 to index
      %swap3A_104 = arith.index_cast %scan3A_77#0 : i32 to index
      %swap3A_105 = tpu.vector_load %arg7[%swap3A_103, %swap3A_104] {strides = array<i32>} : memref<16x3200xf32, #tpu.memory_space<vmem>>, vector<16xf32>,
      tpu.vector_store %arg7[%swap3A_103, %swap3A_104], %scan3A_77#7 {strides = array<i32>} : memref<16x3200xf32, #tpu.memory_space<vmem>>, vector<16xf32>,
      %swap3A_106 = arith.constant 7 : i32
      %swap3A_107 = arith.index_cast %swap3A_106 : i32 to index
      %swap3A_108 = arith.index_cast %scan3A_77#0 : i32 to index
      %swap3A_109 = tpu.vector_load %arg7[%swap3A_107, %swap3A_108] {strides = array<i32>} : memref<16x3200xf32, #tpu.memory_space<vmem>>, vector<16xf32>,
      tpu.vector_store %arg7[%swap3A_107, %swap3A_108], %scan3A_77#8 {strides = array<i32>} : memref<16x3200xf32, #tpu.memory_space<vmem>>, vector<16xf32>,
      %swap3A_110 = arith.constant 8 : i32
      %swap3A_111 = arith.index_cast %swap3A_110 : i32 to index
      %swap3A_112 = arith.index_cast %scan3A_77#0 : i32 to index
      %swap3A_113 = tpu.vector_load %arg7[%swap3A_111, %swap3A_112] {strides = array<i32>} : memref<16x3200xf32, #tpu.memory_space<vmem>>, vector<16xf32>,
      tpu.vector_store %arg7[%swap3A_111, %swap3A_112], %scan3A_77#9 {strides = array<i32>} : memref<16x3200xf32, #tpu.memory_space<vmem>>, vector<16xf32>,
      %swap3A_114 = arith.constant 9 : i32
      %swap3A_115 = arith.index_cast %swap3A_114 : i32 to index
      %swap3A_116 = arith.index_cast %scan3A_77#0 : i32 to index
      %swap3A_117 = tpu.vector_load %arg7[%swap3A_115, %swap3A_116] {strides = array<i32>} : memref<16x3200xf32, #tpu.memory_space<vmem>>, vector<16xf32>,
      tpu.vector_store %arg7[%swap3A_115, %swap3A_116], %scan3A_77#10 {strides = array<i32>} : memref<16x3200xf32, #tpu.memory_space<vmem>>, vector<16xf32>,
      %swap3A_118 = arith.constant 10 : i32
      %swap3A_119 = arith.index_cast %swap3A_118 : i32 to index
      %swap3A_120 = arith.index_cast %scan3A_77#0 : i32 to index
      %swap3A_121 = tpu.vector_load %arg7[%swap3A_119, %swap3A_120] {strides = array<i32>} : memref<16x3200xf32, #tpu.memory_space<vmem>>, vector<16xf32>,
      tpu.vector_store %arg7[%swap3A_119, %swap3A_120], %scan3A_77#11 {strides = array<i32>} : memref<16x3200xf32, #tpu.memory_space<vmem>>, vector<16xf32>,
      %swap3A_122 = arith.constant 11 : i32
      %swap3A_123 = arith.index_cast %swap3A_122 : i32 to index
      %swap3A_124 = arith.index_cast %scan3A_77#0 : i32 to index
      %swap3A_125 = tpu.vector_load %arg7[%swap3A_123, %swap3A_124] {strides = array<i32>} : memref<16x3200xf32, #tpu.memory_space<vmem>>, vector<16xf32>,
      tpu.vector_store %arg7[%swap3A_123, %swap3A_124], %scan3A_77#12 {strides = array<i32>} : memref<16x3200xf32, #tpu.memory_space<vmem>>, vector<16xf32>,
      %swap3A_126 = arith.constant 12 : i32
      %swap3A_127 = arith.index_cast %swap3A_126 : i32 to index
      %swap3A_128 = arith.index_cast %scan3A_77#0 : i32 to index
      %swap3A_129 = tpu.vector_load %arg7[%swap3A_127, %swap3A_128] {strides = array<i32>} : memref<16x3200xf32, #tpu.memory_space<vmem>>, vector<16xf32>,
      tpu.vector_store %arg7[%swap3A_127, %swap3A_128], %scan3A_77#13 {strides = array<i32>} : memref<16x3200xf32, #tpu.memory_space<vmem>>, vector<16xf32>,
      %swap3A_130 = arith.constant 13 : i32
      %swap3A_131 = arith.index_cast %swap3A_130 : i32 to index
      %swap3A_132 = arith.index_cast %scan3A_77#0 : i32 to index
      %swap3A_133 = tpu.vector_load %arg7[%swap3A_131, %swap3A_132] {strides = array<i32>} : memref<16x3200xf32, #tpu.memory_space<vmem>>, vector<16xf32>,
      tpu.vector_store %arg7[%swap3A_131, %swap3A_132], %scan3A_77#14 {strides = array<i32>} : memref<16x3200xf32, #tpu.memory_space<vmem>>, vector<16xf32>,
      %swap3A_134 = arith.constant 14 : i32
      %swap3A_135 = arith.index_cast %swap3A_134 : i32 to index
      %swap3A_136 = arith.index_cast %scan3A_77#0 : i32 to index
      %swap3A_137 = tpu.vector_load %arg7[%swap3A_135, %swap3A_136] {strides = array<i32>} : memref<16x3200xf32, #tpu.memory_space<vmem>>, vector<16xf32>,
      tpu.vector_store %arg7[%swap3A_135, %swap3A_136], %scan3A_77#15 {strides = array<i32>} : memref<16x3200xf32, #tpu.memory_space<vmem>>, vector<16xf32>,
      %swap3A_138 = arith.constant 15 : i32
      %swap3A_139 = arith.index_cast %swap3A_138 : i32 to index
      %swap3A_140 = arith.index_cast %scan3A_77#0 : i32 to index
      %swap3A_141 = tpu.vector_load %arg7[%swap3A_139, %swap3A_140] {strides = array<i32>} : memref<16x3200xf32, #tpu.memory_space<vmem>>, vector<16xf32>,
      tpu.vector_store %arg7[%swap3A_139, %swap3A_140], %scan3A_77#16 {strides = array<i32>} : memref<16x3200xf32, #tpu.memory_space<vmem>>, vector<16xf32>,
      %add3A_142 = arith.constant 0 : i32
      %add3A_143 = arith.addi %mul3A_2, %add3A_142 : i32
      %dma_start3A = arith.constant 0 : i32
      %dma_start3A_144 = arith.constant 0 : i32
      %dma_start3A_145 = tpu.memref_slice %arg7[%dma_start3A, %dma_start3A_144] : memref<16x3200xf32, #tpu.memory_space<vmem>> -> memref<16x896xf32, #tpu.memory_space<vmem>>
      %dma_start3A_146 = arith.constant 0 : i32
      %dma_start3A_147 = tpu.memref_slice %arg4[%dma_start3A_146, %add3A_143] : memref<16x100000xf32, #tpu.memory_space<hbm>> -> memref<16x896xf32, #tpu.memory_space<hbm>>
      %dma_start3A_148 = arith.constant 0 : i32
      %dma_start3A_149 = tpu.memref_slice %arg4[%dma_start3A_148, %add3A_143] : memref<16x100000xf32, #tpu.memory_space<hbm>> -> memref<16x896xf32, #tpu.memory_space<hbm>>
      %dma_start3A_150 = arith.constant 0 : i32
      %dma_start3A_151 = arith.constant 0 : i32
      %dma_start3A_152 = tpu.memref_slice %arg7[%dma_start3A_150, %dma_start3A_151] : memref<16x3200xf32, #tpu.memory_space<vmem>> -> memref<16x896xf32, #tpu.memory_space<vmem>>
      tpu.enqueue_dma source(%dma_start3A_152 : memref<16x896xf32, #tpu.memory_space<vmem>>) target(%dma_start3A_149 : memref<16x896xf32, #tpu.memory_space<hbm>>) target_semaphore(%arg8 : memref<!tpu.dma_semaphore, #tpu.memory_space<semaphore_mem>>)
      %get3A_153 = arith.constant 896 : index
      %get3A_154 = tpu.vector_load %arg6[%get3A_153] {strides = array<i32>} : memref<3200xi32, #tpu.memory_space<vmem>>, vector<16xi32>,
      %add3A_155 = arith.constant 0 : i32
      %add3A_156 = vector.broadcast %add3A_155 : i32 to vector<16xi32>
      %add3A_157 = arith.addi %get3A_154, %add3A_156 : vector<16xi32>
      %gather3A_158 = tpu.vector_load_idx %arg5[%add3A_157] : memref<1600xf32, #tpu.memory_space<vmem>>[vector<16xi32>], vector<16xf32>,
      %add3A_159 = arith.constant 100 : i32
      %add3A_160 = vector.broadcast %add3A_159 : i32 to vector<16xi32>
      %add3A_161 = arith.addi %get3A_154, %add3A_160 : vector<16xi32>
      %gather3A_162 = tpu.vector_load_idx %arg5[%add3A_161] : memref<1600xf32, #tpu.memory_space<vmem>>[vector<16xi32>], vector<16xf32>,
      %add3A_163 = arith.constant 200 : i32
      %add3A_164 = vector.broadcast %add3A_163 : i32 to vector<16xi32>
      %add3A_165 = arith.addi %get3A_154, %add3A_164 : vector<16xi32>
      %gather3A_166 = tpu.vector_load_idx %arg5[%add3A_165] : memref<1600xf32, #tpu.memory_space<vmem>>[vector<16xi32>], vector<16xf32>,
      %add3A_167 = arith.constant 300 : i32
      %add3A_168 = vector.broadcast %add3A_167 : i32 to vector<16xi32>
      %add3A_169 = arith.addi %get3A_154, %add3A_168 : vector<16xi32>
      %gather3A_170 = tpu.vector_load_idx %arg5[%add3A_169] : memref<1600xf32, #tpu.memory_space<vmem>>[vector<16xi32>], vector<16xf32>,
      %add3A_171 = arith.constant 400 : i32
      %add3A_172 = vector.broadcast %add3A_171 : i32 to vector<16xi32>
      %add3A_173 = arith.addi %get3A_154, %add3A_172 : vector<16xi32>
      %gather3A_174 = tpu.vector_load_idx %arg5[%add3A_173] : memref<1600xf32, #tpu.memory_space<vmem>>[vector<16xi32>], vector<16xf32>,
      %add3A_175 = arith.constant 500 : i32
      %add3A_176 = vector.broadcast %add3A_175 : i32 to vector<16xi32>
      %add3A_177 = arith.addi %get3A_154, %add3A_176 : vector<16xi32>
      %gather3A_178 = tpu.vector_load_idx %arg5[%add3A_177] : memref<1600xf32, #tpu.memory_space<vmem>>[vector<16xi32>], vector<16xf32>,
      %add3A_179 = arith.constant 600 : i32
      %add3A_180 = vector.broadcast %add3A_179 : i32 to vector<16xi32>
      %add3A_181 = arith.addi %get3A_154, %add3A_180 : vector<16xi32>
      %gather3A_182 = tpu.vector_load_idx %arg5[%add3A_181] : memref<1600xf32, #tpu.memory_space<vmem>>[vector<16xi32>], vector<16xf32>,
      %add3A_183 = arith.constant 700 : i32
      %add3A_184 = vector.broadcast %add3A_183 : i32 to vector<16xi32>
      %add3A_185 = arith.addi %get3A_154, %add3A_184 : vector<16xi32>
      %gather3A_186 = tpu.vector_load_idx %arg5[%add3A_185] : memref<1600xf32, #tpu.memory_space<vmem>>[vector<16xi32>], vector<16xf32>,
      %add3A_187 = arith.constant 800 : i32
      %add3A_188 = vector.broadcast %add3A_187 : i32 to vector<16xi32>
      %add3A_189 = arith.addi %get3A_154, %add3A_188 : vector<16xi32>
      %gather3A_190 = tpu.vector_load_idx %arg5[%add3A_189] : memref<1600xf32, #tpu.memory_space<vmem>>[vector<16xi32>], vector<16xf32>,
      %add3A_191 = arith.constant 900 : i32
      %add3A_192 = vector.broadcast %add3A_191 : i32 to vector<16xi32>
      %add3A_193 = arith.addi %get3A_154, %add3A_192 : vector<16xi32>
      %gather3A_194 = tpu.vector_load_idx %arg5[%add3A_193] : memref<1600xf32, #tpu.memory_space<vmem>>[vector<16xi32>], vector<16xf32>,
      %add3A_195 = arith.constant 1000 : i32
      %add3A_196 = vector.broadcast %add3A_195 : i32 to vector<16xi32>
      %add3A_197 = arith.addi %get3A_154, %add3A_196 : vector<16xi32>
      %gather3A_198 = tpu.vector_load_idx %arg5[%add3A_197] : memref<1600xf32, #tpu.memory_space<vmem>>[vector<16xi32>], vector<16xf32>,
      %add3A_199 = arith.constant 1100 : i32
      %add3A_200 = vector.broadcast %add3A_199 : i32 to vector<16xi32>
      %add3A_201 = arith.addi %get3A_154, %add3A_200 : vector<16xi32>
      %gather3A_202 = tpu.vector_load_idx %arg5[%add3A_201] : memref<1600xf32, #tpu.memory_space<vmem>>[vector<16xi32>], vector<16xf32>,
      %add3A_203 = arith.constant 1200 : i32
      %add3A_204 = vector.broadcast %add3A_203 : i32 to vector<16xi32>
      %add3A_205 = arith.addi %get3A_154, %add3A_204 : vector<16xi32>
      %gather3A_206 = tpu.vector_load_idx %arg5[%add3A_205] : memref<1600xf32, #tpu.memory_space<vmem>>[vector<16xi32>], vector<16xf32>,
      %add3A_207 = arith.constant 1300 : i32
      %add3A_208 = vector.broadcast %add3A_207 : i32 to vector<16xi32>
      %add3A_209 = arith.addi %get3A_154, %add3A_208 : vector<16xi32>
      %gather3A_210 = tpu.vector_load_idx %arg5[%add3A_209] : memref<1600xf32, #tpu.memory_space<vmem>>[vector<16xi32>], vector<16xf32>,
      %add3A_211 = arith.constant 1400 : i32
      %add3A_212 = vector.broadcast %add3A_211 : i32 to vector<16xi32>
      %add3A_213 = arith.addi %get3A_154, %add3A_212 : vector<16xi32>
      %gather3A_214 = tpu.vector_load_idx %arg5[%add3A_213] : memref<1600xf32, #tpu.memory_space<vmem>>[vector<16xi32>], vector<16xf32>,
      %add3A_215 = arith.constant 1500 : i32
      %add3A_216 = vector.broadcast %add3A_215 : i32 to vector<16xi32>
      %add3A_217 = arith.addi %get3A_154, %add3A_216 : vector<16xi32>
      %gather3A_218 = tpu.vector_load_idx %arg5[%add3A_217] : memref<1600xf32, #tpu.memory_space<vmem>>[vector<16xi32>], vector<16xf32>,
      %scan3A_219 = arith.constant 896 : i32
      %scan3A_220 = arith.constant 1 : i32
      %scan3A_221 = arith.constant 47 : i32
      %scan3A_222 = arith.addi %scan3A_220, %scan3A_221 : i32
      %scan3A_223 = arith.constant 1 : i32
      %scan3A_224:17 = scf.for %scan3A_639 = %scan3A_220 to %scan3A_222 step %scan3A_223 iter_args(%scan3A_640 = %scan3A_219, %scan3A_641 = %gather3A_158, %scan3A_642 = %gather3A_162, %scan3A_643 = %gather3A_166, %scan3A_644 = %gather3A_170, %scan3A_645 = %gather3A_174, %scan3A_646 = %gather3A_178, %scan3A_647 = %gather3A_182, %scan3A_648 = %gather3A_186, %scan3A_649 = %gather3A_190, %scan3A_650 = %gather3A_194, %scan3A_651 = %gather3A_198, %scan3A_652 = %gather3A_202, %scan3A_653 = %gather3A_206, %scan3A_654 = %gather3A_210, %scan3A_655 = %gather3A_214, %scan3A_656 = %gather3A_218) -> (i32, vector<16xf32>, vector<16xf32>, vector<16xf32>, vector<16xf32>, vector<16xf32>, vector<16xf32>, vector<16xf32>, vector<16xf32>, vector<16xf32>, vector<16xf32>, vector<16xf32>, vector<16xf32>, vector<16xf32>, vector<16xf32>, vector<16xf32>, vector<16xf32>)  : i32 {
        %mul3A_657 = arith.constant 16 : i32
        %mul3A_658 = arith.muli %scan3A_639, %mul3A_657 : i32
        %add3A_659 = arith.constant 896 : i32
        %add3A_660 = arith.addi %add3A_659, %mul3A_658 : i32
        %get3A_661 = arith.index_cast %add3A_660 : i32 to index
        %get3A_662 = tpu.vector_load %arg6[%get3A_661] {strides = array<i32>} : memref<3200xi32, #tpu.memory_space<vmem>>, vector<16xi32>,
        %add3A_663 = arith.constant 0 : i32
        %add3A_664 = vector.broadcast %add3A_663 : i32 to vector<16xi32>
        %add3A_665 = arith.addi %get3A_662, %add3A_664 : vector<16xi32>
        %gather3A_666 = tpu.vector_load_idx %arg5[%add3A_665] : memref<1600xf32, #tpu.memory_space<vmem>>[vector<16xi32>], vector<16xf32>,
        %swap3A_667 = arith.constant 0 : i32
        %swap3A_668 = arith.index_cast %swap3A_667 : i32 to index
        %swap3A_669 = arith.index_cast %scan3A_640 : i32 to index
        %swap3A_670 = tpu.vector_load %arg7[%swap3A_668, %swap3A_669] {strides = array<i32>} : memref<16x3200xf32, #tpu.memory_space<vmem>>, vector<16xf32>,
        tpu.vector_store %arg7[%swap3A_668, %swap3A_669], %scan3A_641 {strides = array<i32>} : memref<16x3200xf32, #tpu.memory_space<vmem>>, vector<16xf32>,
        %add3A_671 = arith.constant 100 : i32
        %add3A_672 = vector.broadcast %add3A_671 : i32 to vector<16xi32>
        %add3A_673 = arith.addi %get3A_662, %add3A_672 : vector<16xi32>
        %gather3A_674 = tpu.vector_load_idx %arg5[%add3A_673] : memref<1600xf32, #tpu.memory_space<vmem>>[vector<16xi32>], vector<16xf32>,
        %swap3A_675 = arith.constant 1 : i32
        %swap3A_676 = arith.index_cast %swap3A_675 : i32 to index
        %swap3A_677 = arith.index_cast %scan3A_640 : i32 to index
        %swap3A_678 = tpu.vector_load %arg7[%swap3A_676, %swap3A_677] {strides = array<i32>} : memref<16x3200xf32, #tpu.memory_space<vmem>>, vector<16xf32>,
        tpu.vector_store %arg7[%swap3A_676, %swap3A_677], %scan3A_642 {strides = array<i32>} : memref<16x3200xf32, #tpu.memory_space<vmem>>, vector<16xf32>,
        %add3A_679 = arith.constant 200 : i32
        %add3A_680 = vector.broadcast %add3A_679 : i32 to vector<16xi32>
        %add3A_681 = arith.addi %get3A_662, %add3A_680 : vector<16xi32>
        %gather3A_682 = tpu.vector_load_idx %arg5[%add3A_681] : memref<1600xf32, #tpu.memory_space<vmem>>[vector<16xi32>], vector<16xf32>,
        %swap3A_683 = arith.constant 2 : i32
        %swap3A_684 = arith.index_cast %swap3A_683 : i32 to index
        %swap3A_685 = arith.index_cast %scan3A_640 : i32 to index
        %swap3A_686 = tpu.vector_load %arg7[%swap3A_684, %swap3A_685] {strides = array<i32>} : memref<16x3200xf32, #tpu.memory_space<vmem>>, vector<16xf32>,
        tpu.vector_store %arg7[%swap3A_684, %swap3A_685], %scan3A_643 {strides = array<i32>} : memref<16x3200xf32, #tpu.memory_space<vmem>>, vector<16xf32>,
        %add3A_687 = arith.constant 300 : i32
        %add3A_688 = vector.broadcast %add3A_687 : i32 to vector<16xi32>
        %add3A_689 = arith.addi %get3A_662, %add3A_688 : vector<16xi32>
        %gather3A_690 = tpu.vector_load_idx %arg5[%add3A_689] : memref<1600xf32, #tpu.memory_space<vmem>>[vector<16xi32>], vector<16xf32>,
        %swap3A_691 = arith.constant 3 : i32
        %swap3A_692 = arith.index_cast %swap3A_691 : i32 to index
        %swap3A_693 = arith.index_cast %scan3A_640 : i32 to index
        %swap3A_694 = tpu.vector_load %arg7[%swap3A_692, %swap3A_693] {strides = array<i32>} : memref<16x3200xf32, #tpu.memory_space<vmem>>, vector<16xf32>,
        tpu.vector_store %arg7[%swap3A_692, %swap3A_693], %scan3A_644 {strides = array<i32>} : memref<16x3200xf32, #tpu.memory_space<vmem>>, vector<16xf32>,
        %add3A_695 = arith.constant 400 : i32
        %add3A_696 = vector.broadcast %add3A_695 : i32 to vector<16xi32>
        %add3A_697 = arith.addi %get3A_662, %add3A_696 : vector<16xi32>
        %gather3A_698 = tpu.vector_load_idx %arg5[%add3A_697] : memref<1600xf32, #tpu.memory_space<vmem>>[vector<16xi32>], vector<16xf32>,
        %swap3A_699 = arith.constant 4 : i32
        %swap3A_700 = arith.index_cast %swap3A_699 : i32 to index
        %swap3A_701 = arith.index_cast %scan3A_640 : i32 to index
        %swap3A_702 = tpu.vector_load %arg7[%swap3A_700, %swap3A_701] {strides = array<i32>} : memref<16x3200xf32, #tpu.memory_space<vmem>>, vector<16xf32>,
        tpu.vector_store %arg7[%swap3A_700, %swap3A_701], %scan3A_645 {strides = array<i32>} : memref<16x3200xf32, #tpu.memory_space<vmem>>, vector<16xf32>,
        %add3A_703 = arith.constant 500 : i32
        %add3A_704 = vector.broadcast %add3A_703 : i32 to vector<16xi32>
        %add3A_705 = arith.addi %get3A_662, %add3A_704 : vector<16xi32>
        %gather3A_706 = tpu.vector_load_idx %arg5[%add3A_705] : memref<1600xf32, #tpu.memory_space<vmem>>[vector<16xi32>], vector<16xf32>,
        %swap3A_707 = arith.constant 5 : i32
        %swap3A_708 = arith.index_cast %swap3A_707 : i32 to index
        %swap3A_709 = arith.index_cast %scan3A_640 : i32 to index
        %swap3A_710 = tpu.vector_load %arg7[%swap3A_708, %swap3A_709] {strides = array<i32>} : memref<16x3200xf32, #tpu.memory_space<vmem>>, vector<16xf32>,
        tpu.vector_store %arg7[%swap3A_708, %swap3A_709], %scan3A_646 {strides = array<i32>} : memref<16x3200xf32, #tpu.memory_space<vmem>>, vector<16xf32>,
        %add3A_711 = arith.constant 600 : i32
        %add3A_712 = vector.broadcast %add3A_711 : i32 to vector<16xi32>
        %add3A_713 = arith.addi %get3A_662, %add3A_712 : vector<16xi32>
        %gather3A_714 = tpu.vector_load_idx %arg5[%add3A_713] : memref<1600xf32, #tpu.memory_space<vmem>>[vector<16xi32>], vector<16xf32>,
        %swap3A_715 = arith.constant 6 : i32
        %swap3A_716 = arith.index_cast %swap3A_715 : i32 to index
        %swap3A_717 = arith.index_cast %scan3A_640 : i32 to index
        %swap3A_718 = tpu.vector_load %arg7[%swap3A_716, %swap3A_717] {strides = array<i32>} : memref<16x3200xf32, #tpu.memory_space<vmem>>, vector<16xf32>,
        tpu.vector_store %arg7[%swap3A_716, %swap3A_717], %scan3A_647 {strides = array<i32>} : memref<16x3200xf32, #tpu.memory_space<vmem>>, vector<16xf32>,
        %add3A_719 = arith.constant 700 : i32
        %add3A_720 = vector.broadcast %add3A_719 : i32 to vector<16xi32>
        %add3A_721 = arith.addi %get3A_662, %add3A_720 : vector<16xi32>
        %gather3A_722 = tpu.vector_load_idx %arg5[%add3A_721] : memref<1600xf32, #tpu.memory_space<vmem>>[vector<16xi32>], vector<16xf32>,
        %swap3A_723 = arith.constant 7 : i32
        %swap3A_724 = arith.index_cast %swap3A_723 : i32 to index
        %swap3A_725 = arith.index_cast %scan3A_640 : i32 to index
        %swap3A_726 = tpu.vector_load %arg7[%swap3A_724, %swap3A_725] {strides = array<i32>} : memref<16x3200xf32, #tpu.memory_space<vmem>>, vector<16xf32>,
        tpu.vector_store %arg7[%swap3A_724, %swap3A_725], %scan3A_648 {strides = array<i32>} : memref<16x3200xf32, #tpu.memory_space<vmem>>, vector<16xf32>,
        %add3A_727 = arith.constant 800 : i32
        %add3A_728 = vector.broadcast %add3A_727 : i32 to vector<16xi32>
        %add3A_729 = arith.addi %get3A_662, %add3A_728 : vector<16xi32>
        %gather3A_730 = tpu.vector_load_idx %arg5[%add3A_729] : memref<1600xf32, #tpu.memory_space<vmem>>[vector<16xi32>], vector<16xf32>,
        %swap3A_731 = arith.constant 8 : i32
        %swap3A_732 = arith.index_cast %swap3A_731 : i32 to index
        %swap3A_733 = arith.index_cast %scan3A_640 : i32 to index
        %swap3A_734 = tpu.vector_load %arg7[%swap3A_732, %swap3A_733] {strides = array<i32>} : memref<16x3200xf32, #tpu.memory_space<vmem>>, vector<16xf32>,
        tpu.vector_store %arg7[%swap3A_732, %swap3A_733], %scan3A_649 {strides = array<i32>} : memref<16x3200xf32, #tpu.memory_space<vmem>>, vector<16xf32>,
        %add3A_735 = arith.constant 900 : i32
        %add3A_736 = vector.broadcast %add3A_735 : i32 to vector<16xi32>
        %add3A_737 = arith.addi %get3A_662, %add3A_736 : vector<16xi32>
        %gather3A_738 = tpu.vector_load_idx %arg5[%add3A_737] : memref<1600xf32, #tpu.memory_space<vmem>>[vector<16xi32>], vector<16xf32>,
        %swap3A_739 = arith.constant 9 : i32
        %swap3A_740 = arith.index_cast %swap3A_739 : i32 to index
        %swap3A_741 = arith.index_cast %scan3A_640 : i32 to index
        %swap3A_742 = tpu.vector_load %arg7[%swap3A_740, %swap3A_741] {strides = array<i32>} : memref<16x3200xf32, #tpu.memory_space<vmem>>, vector<16xf32>,
        tpu.vector_store %arg7[%swap3A_740, %swap3A_741], %scan3A_650 {strides = array<i32>} : memref<16x3200xf32, #tpu.memory_space<vmem>>, vector<16xf32>,
        %add3A_743 = arith.constant 1000 : i32
        %add3A_744 = vector.broadcast %add3A_743 : i32 to vector<16xi32>
        %add3A_745 = arith.addi %get3A_662, %add3A_744 : vector<16xi32>
        %gather3A_746 = tpu.vector_load_idx %arg5[%add3A_745] : memref<1600xf32, #tpu.memory_space<vmem>>[vector<16xi32>], vector<16xf32>,
        %swap3A_747 = arith.constant 10 : i32
        %swap3A_748 = arith.index_cast %swap3A_747 : i32 to index
        %swap3A_749 = arith.index_cast %scan3A_640 : i32 to index
        %swap3A_750 = tpu.vector_load %arg7[%swap3A_748, %swap3A_749] {strides = array<i32>} : memref<16x3200xf32, #tpu.memory_space<vmem>>, vector<16xf32>,
        tpu.vector_store %arg7[%swap3A_748, %swap3A_749], %scan3A_651 {strides = array<i32>} : memref<16x3200xf32, #tpu.memory_space<vmem>>, vector<16xf32>,
        %add3A_751 = arith.constant 1100 : i32
        %add3A_752 = vector.broadcast %add3A_751 : i32 to vector<16xi32>
        %add3A_753 = arith.addi %get3A_662, %add3A_752 : vector<16xi32>
        %gather3A_754 = tpu.vector_load_idx %arg5[%add3A_753] : memref<1600xf32, #tpu.memory_space<vmem>>[vector<16xi32>], vector<16xf32>,
        %swap3A_755 = arith.constant 11 : i32
        %swap3A_756 = arith.index_cast %swap3A_755 : i32 to index
        %swap3A_757 = arith.index_cast %scan3A_640 : i32 to index
        %swap3A_758 = tpu.vector_load %arg7[%swap3A_756, %swap3A_757] {strides = array<i32>} : memref<16x3200xf32, #tpu.memory_space<vmem>>, vector<16xf32>,
        tpu.vector_store %arg7[%swap3A_756, %swap3A_757], %scan3A_652 {strides = array<i32>} : memref<16x3200xf32, #tpu.memory_space<vmem>>, vector<16xf32>,
        %add3A_759 = arith.constant 1200 : i32
        %add3A_760 = vector.broadcast %add3A_759 : i32 to vector<16xi32>
        %add3A_761 = arith.addi %get3A_662, %add3A_760 : vector<16xi32>
        %gather3A_762 = tpu.vector_load_idx %arg5[%add3A_761] : memref<1600xf32, #tpu.memory_space<vmem>>[vector<16xi32>], vector<16xf32>,
        %swap3A_763 = arith.constant 12 : i32
        %swap3A_764 = arith.index_cast %swap3A_763 : i32 to index
        %swap3A_765 = arith.index_cast %scan3A_640 : i32 to index
        %swap3A_766 = tpu.vector_load %arg7[%swap3A_764, %swap3A_765] {strides = array<i32>} : memref<16x3200xf32, #tpu.memory_space<vmem>>, vector<16xf32>,
        tpu.vector_store %arg7[%swap3A_764, %swap3A_765], %scan3A_653 {strides = array<i32>} : memref<16x3200xf32, #tpu.memory_space<vmem>>, vector<16xf32>,
        %add3A_767 = arith.constant 1300 : i32
        %add3A_768 = vector.broadcast %add3A_767 : i32 to vector<16xi32>
        %add3A_769 = arith.addi %get3A_662, %add3A_768 : vector<16xi32>
        %gather3A_770 = tpu.vector_load_idx %arg5[%add3A_769] : memref<1600xf32, #tpu.memory_space<vmem>>[vector<16xi32>], vector<16xf32>,
        %swap3A_771 = arith.constant 13 : i32
        %swap3A_772 = arith.index_cast %swap3A_771 : i32 to index
        %swap3A_773 = arith.index_cast %scan3A_640 : i32 to index
        %swap3A_774 = tpu.vector_load %arg7[%swap3A_772, %swap3A_773] {strides = array<i32>} : memref<16x3200xf32, #tpu.memory_space<vmem>>, vector<16xf32>,
        tpu.vector_store %arg7[%swap3A_772, %swap3A_773], %scan3A_654 {strides = array<i32>} : memref<16x3200xf32, #tpu.memory_space<vmem>>, vector<16xf32>,
        %add3A_775 = arith.constant 1400 : i32
        %add3A_776 = vector.broadcast %add3A_775 : i32 to vector<16xi32>
        %add3A_777 = arith.addi %get3A_662, %add3A_776 : vector<16xi32>
        %gather3A_778 = tpu.vector_load_idx %arg5[%add3A_777] : memref<1600xf32, #tpu.memory_space<vmem>>[vector<16xi32>], vector<16xf32>,
        %swap3A_779 = arith.constant 14 : i32
        %swap3A_780 = arith.index_cast %swap3A_779 : i32 to index
        %swap3A_781 = arith.index_cast %scan3A_640 : i32 to index
        %swap3A_782 = tpu.vector_load %arg7[%swap3A_780, %swap3A_781] {strides = array<i32>} : memref<16x3200xf32, #tpu.memory_space<vmem>>, vector<16xf32>,
        tpu.vector_store %arg7[%swap3A_780, %swap3A_781], %scan3A_655 {strides = array<i32>} : memref<16x3200xf32, #tpu.memory_space<vmem>>, vector<16xf32>,
        %add3A_783 = arith.constant 1500 : i32
        %add3A_784 = vector.broadcast %add3A_783 : i32 to vector<16xi32>
        %add3A_785 = arith.addi %get3A_662, %add3A_784 : vector<16xi32>
        %gather3A_786 = tpu.vector_load_idx %arg5[%add3A_785] : memref<1600xf32, #tpu.memory_space<vmem>>[vector<16xi32>], vector<16xf32>,
        %swap3A_787 = arith.constant 15 : i32
        %swap3A_788 = arith.index_cast %swap3A_787 : i32 to index
        %swap3A_789 = arith.index_cast %scan3A_640 : i32 to index
        %swap3A_790 = tpu.vector_load %arg7[%swap3A_788, %swap3A_789] {strides = array<i32>} : memref<16x3200xf32, #tpu.memory_space<vmem>>, vector<16xf32>,
        tpu.vector_store %arg7[%swap3A_788, %swap3A_789], %scan3A_656 {strides = array<i32>} : memref<16x3200xf32, #tpu.memory_space<vmem>>, vector<16xf32>,
        scf.yield %add3A_660, %gather3A_666, %gather3A_674, %gather3A_682, %gather3A_690, %gather3A_698, %gather3A_706, %gather3A_714, %gather3A_722, %gather3A_730, %gather3A_738, %gather3A_746, %gather3A_754, %gather3A_762, %gather3A_770, %gather3A_778, %gather3A_786 : i32, vector<16xf32>, vector<16xf32>, vector<16xf32>, vector<16xf32>, vector<16xf32>, vector<16xf32>, vector<16xf32>, vector<16xf32>, vector<16xf32>, vector<16xf32>, vector<16xf32>, vector<16xf32>, vector<16xf32>, vector<16xf32>, vector<16xf32>, vector<16xf32>
      }
      %scan3A_225 = arith.constant 47 : i32
      %swap3A_226 = arith.constant 0 : i32
      %swap3A_227 = arith.index_cast %swap3A_226 : i32 to index
      %swap3A_228 = arith.index_cast %scan3A_224#0 : i32 to index
      %swap3A_229 = tpu.vector_load %arg7[%swap3A_227, %swap3A_228] {strides = array<i32>} : memref<16x3200xf32, #tpu.memory_space<vmem>>, vector<16xf32>,
      tpu.vector_store %arg7[%swap3A_227, %swap3A_228], %scan3A_224#1 {strides = array<i32>} : memref<16x3200xf32, #tpu.memory_space<vmem>>, vector<16xf32>,
      %swap3A_230 = arith.constant 1 : i32
      %swap3A_231 = arith.index_cast %swap3A_230 : i32 to index
      %swap3A_232 = arith.index_cast %scan3A_224#0 : i32 to index
      %swap3A_233 = tpu.vector_load %arg7[%swap3A_231, %swap3A_232] {strides = array<i32>} : memref<16x3200xf32, #tpu.memory_space<vmem>>, vector<16xf32>,
      tpu.vector_store %arg7[%swap3A_231, %swap3A_232], %scan3A_224#2 {strides = array<i32>} : memref<16x3200xf32, #tpu.memory_space<vmem>>, vector<16xf32>,
      %swap3A_234 = arith.constant 2 : i32
      %swap3A_235 = arith.index_cast %swap3A_234 : i32 to index
      %swap3A_236 = arith.index_cast %scan3A_224#0 : i32 to index
      %swap3A_237 = tpu.vector_load %arg7[%swap3A_235, %swap3A_236] {strides = array<i32>} : memref<16x3200xf32, #tpu.memory_space<vmem>>, vector<16xf32>,
      tpu.vector_store %arg7[%swap3A_235, %swap3A_236], %scan3A_224#3 {strides = array<i32>} : memref<16x3200xf32, #tpu.memory_space<vmem>>, vector<16xf32>,
      %swap3A_238 = arith.constant 3 : i32
      %swap3A_239 = arith.index_cast %swap3A_238 : i32 to index
      %swap3A_240 = arith.index_cast %scan3A_224#0 : i32 to index
      %swap3A_241 = tpu.vector_load %arg7[%swap3A_239, %swap3A_240] {strides = array<i32>} : memref<16x3200xf32, #tpu.memory_space<vmem>>, vector<16xf32>,
      tpu.vector_store %arg7[%swap3A_239, %swap3A_240], %scan3A_224#4 {strides = array<i32>} : memref<16x3200xf32, #tpu.memory_space<vmem>>, vector<16xf32>,
      %swap3A_242 = arith.constant 4 : i32
      %swap3A_243 = arith.index_cast %swap3A_242 : i32 to index
      %swap3A_244 = arith.index_cast %scan3A_224#0 : i32 to index
      %swap3A_245 = tpu.vector_load %arg7[%swap3A_243, %swap3A_244] {strides = array<i32>} : memref<16x3200xf32, #tpu.memory_space<vmem>>, vector<16xf32>,
      tpu.vector_store %arg7[%swap3A_243, %swap3A_244], %scan3A_224#5 {strides = array<i32>} : memref<16x3200xf32, #tpu.memory_space<vmem>>, vector<16xf32>,
      %swap3A_246 = arith.constant 5 : i32
      %swap3A_247 = arith.index_cast %swap3A_246 : i32 to index
      %swap3A_248 = arith.index_cast %scan3A_224#0 : i32 to index
      %swap3A_249 = tpu.vector_load %arg7[%swap3A_247, %swap3A_248] {strides = array<i32>} : memref<16x3200xf32, #tpu.memory_space<vmem>>, vector<16xf32>,
      tpu.vector_store %arg7[%swap3A_247, %swap3A_248], %scan3A_224#6 {strides = array<i32>} : memref<16x3200xf32, #tpu.memory_space<vmem>>, vector<16xf32>,
      %swap3A_250 = arith.constant 6 : i32
      %swap3A_251 = arith.index_cast %swap3A_250 : i32 to index
      %swap3A_252 = arith.index_cast %scan3A_224#0 : i32 to index
      %swap3A_253 = tpu.vector_load %arg7[%swap3A_251, %swap3A_252] {strides = array<i32>} : memref<16x3200xf32, #tpu.memory_space<vmem>>, vector<16xf32>,
      tpu.vector_store %arg7[%swap3A_251, %swap3A_252], %scan3A_224#7 {strides = array<i32>} : memref<16x3200xf32, #tpu.memory_space<vmem>>, vector<16xf32>,
      %swap3A_254 = arith.constant 7 : i32
      %swap3A_255 = arith.index_cast %swap3A_254 : i32 to index
      %swap3A_256 = arith.index_cast %scan3A_224#0 : i32 to index
      %swap3A_257 = tpu.vector_load %arg7[%swap3A_255, %swap3A_256] {strides = array<i32>} : memref<16x3200xf32, #tpu.memory_space<vmem>>, vector<16xf32>,
      tpu.vector_store %arg7[%swap3A_255, %swap3A_256], %scan3A_224#8 {strides = array<i32>} : memref<16x3200xf32, #tpu.memory_space<vmem>>, vector<16xf32>,
      %swap3A_258 = arith.constant 8 : i32
      %swap3A_259 = arith.index_cast %swap3A_258 : i32 to index
      %swap3A_260 = arith.index_cast %scan3A_224#0 : i32 to index
      %swap3A_261 = tpu.vector_load %arg7[%swap3A_259, %swap3A_260] {strides = array<i32>} : memref<16x3200xf32, #tpu.memory_space<vmem>>, vector<16xf32>,
      tpu.vector_store %arg7[%swap3A_259, %swap3A_260], %scan3A_224#9 {strides = array<i32>} : memref<16x3200xf32, #tpu.memory_space<vmem>>, vector<16xf32>,
      %swap3A_262 = arith.constant 9 : i32
      %swap3A_263 = arith.index_cast %swap3A_262 : i32 to index
      %swap3A_264 = arith.index_cast %scan3A_224#0 : i32 to index
      %swap3A_265 = tpu.vector_load %arg7[%swap3A_263, %swap3A_264] {strides = array<i32>} : memref<16x3200xf32, #tpu.memory_space<vmem>>, vector<16xf32>,
      tpu.vector_store %arg7[%swap3A_263, %swap3A_264], %scan3A_224#10 {strides = array<i32>} : memref<16x3200xf32, #tpu.memory_space<vmem>>, vector<16xf32>,
      %swap3A_266 = arith.constant 10 : i32
      %swap3A_267 = arith.index_cast %swap3A_266 : i32 to index
      %swap3A_268 = arith.index_cast %scan3A_224#0 : i32 to index
      %swap3A_269 = tpu.vector_load %arg7[%swap3A_267, %swap3A_268] {strides = array<i32>} : memref<16x3200xf32, #tpu.memory_space<vmem>>, vector<16xf32>,
      tpu.vector_store %arg7[%swap3A_267, %swap3A_268], %scan3A_224#11 {strides = array<i32>} : memref<16x3200xf32, #tpu.memory_space<vmem>>, vector<16xf32>,
      %swap3A_270 = arith.constant 11 : i32
      %swap3A_271 = arith.index_cast %swap3A_270 : i32 to index
      %swap3A_272 = arith.index_cast %scan3A_224#0 : i32 to index
      %swap3A_273 = tpu.vector_load %arg7[%swap3A_271, %swap3A_272] {strides = array<i32>} : memref<16x3200xf32, #tpu.memory_space<vmem>>, vector<16xf32>,
      tpu.vector_store %arg7[%swap3A_271, %swap3A_272], %scan3A_224#12 {strides = array<i32>} : memref<16x3200xf32, #tpu.memory_space<vmem>>, vector<16xf32>,
      %swap3A_274 = arith.constant 12 : i32
      %swap3A_275 = arith.index_cast %swap3A_274 : i32 to index
      %swap3A_276 = arith.index_cast %scan3A_224#0 : i32 to index
      %swap3A_277 = tpu.vector_load %arg7[%swap3A_275, %swap3A_276] {strides = array<i32>} : memref<16x3200xf32, #tpu.memory_space<vmem>>, vector<16xf32>,
      tpu.vector_store %arg7[%swap3A_275, %swap3A_276], %scan3A_224#13 {strides = array<i32>} : memref<16x3200xf32, #tpu.memory_space<vmem>>, vector<16xf32>,
      %swap3A_278 = arith.constant 13 : i32
      %swap3A_279 = arith.index_cast %swap3A_278 : i32 to index
      %swap3A_280 = arith.index_cast %scan3A_224#0 : i32 to index
      %swap3A_281 = tpu.vector_load %arg7[%swap3A_279, %swap3A_280] {strides = array<i32>} : memref<16x3200xf32, #tpu.memory_space<vmem>>, vector<16xf32>,
      tpu.vector_store %arg7[%swap3A_279, %swap3A_280], %scan3A_224#14 {strides = array<i32>} : memref<16x3200xf32, #tpu.memory_space<vmem>>, vector<16xf32>,
      %swap3A_282 = arith.constant 14 : i32
      %swap3A_283 = arith.index_cast %swap3A_282 : i32 to index
      %swap3A_284 = arith.index_cast %scan3A_224#0 : i32 to index
      %swap3A_285 = tpu.vector_load %arg7[%swap3A_283, %swap3A_284] {strides = array<i32>} : memref<16x3200xf32, #tpu.memory_space<vmem>>, vector<16xf32>,
      tpu.vector_store %arg7[%swap3A_283, %swap3A_284], %scan3A_224#15 {strides = array<i32>} : memref<16x3200xf32, #tpu.memory_space<vmem>>, vector<16xf32>,
      %swap3A_286 = arith.constant 15 : i32
      %swap3A_287 = arith.index_cast %swap3A_286 : i32 to index
      %swap3A_288 = arith.index_cast %scan3A_224#0 : i32 to index
      %swap3A_289 = tpu.vector_load %arg7[%swap3A_287, %swap3A_288] {strides = array<i32>} : memref<16x3200xf32, #tpu.memory_space<vmem>>, vector<16xf32>,
      tpu.vector_store %arg7[%swap3A_287, %swap3A_288], %scan3A_224#16 {strides = array<i32>} : memref<16x3200xf32, #tpu.memory_space<vmem>>, vector<16xf32>,
      %add3A_290 = arith.constant 896 : i32
      %add3A_291 = arith.addi %mul3A_2, %add3A_290 : i32
      %dma_start3A_292 = arith.constant 0 : i32
      %dma_start3A_293 = arith.constant 896 : i32
      %dma_start3A_294 = tpu.memref_slice %arg7[%dma_start3A_292, %dma_start3A_293] : memref<16x3200xf32, #tpu.memory_space<vmem>> -> memref<16x768xf32, #tpu.memory_space<vmem>>
      %dma_start3A_295 = arith.constant 0 : i32
      %dma_start3A_296 = tpu.memref_slice %arg4[%dma_start3A_295, %add3A_291] : memref<16x100000xf32, #tpu.memory_space<hbm>> -> memref<16x768xf32, #tpu.memory_space<hbm>>
      %dma_start3A_297 = arith.constant 0 : i32
      %dma_start3A_298 = tpu.memref_slice %arg4[%dma_start3A_297, %add3A_291] : memref<16x100000xf32, #tpu.memory_space<hbm>> -> memref<16x768xf32, #tpu.memory_space<hbm>>
      %dma_start3A_299 = arith.constant 0 : i32
      %dma_start3A_300 = arith.constant 896 : i32
      %dma_start3A_301 = tpu.memref_slice %arg7[%dma_start3A_299, %dma_start3A_300] : memref<16x3200xf32, #tpu.memory_space<vmem>> -> memref<16x768xf32, #tpu.memory_space<vmem>>
      tpu.enqueue_dma source(%dma_start3A_301 : memref<16x768xf32, #tpu.memory_space<vmem>>) target(%dma_start3A_298 : memref<16x768xf32, #tpu.memory_space<hbm>>) target_semaphore(%arg8 : memref<!tpu.dma_semaphore, #tpu.memory_space<semaphore_mem>>)
      %get3A_302 = arith.constant 1664 : index
      %get3A_303 = tpu.vector_load %arg6[%get3A_302] {strides = array<i32>} : memref<3200xi32, #tpu.memory_space<vmem>>, vector<16xi32>,
      %add3A_304 = arith.constant 0 : i32
      %add3A_305 = vector.broadcast %add3A_304 : i32 to vector<16xi32>
      %add3A_306 = arith.addi %get3A_303, %add3A_305 : vector<16xi32>
      %gather3A_307 = tpu.vector_load_idx %arg5[%add3A_306] : memref<1600xf32, #tpu.memory_space<vmem>>[vector<16xi32>], vector<16xf32>,
      %add3A_308 = arith.constant 100 : i32
      %add3A_309 = vector.broadcast %add3A_308 : i32 to vector<16xi32>
      %add3A_310 = arith.addi %get3A_303, %add3A_309 : vector<16xi32>
      %gather3A_311 = tpu.vector_load_idx %arg5[%add3A_310] : memref<1600xf32, #tpu.memory_space<vmem>>[vector<16xi32>], vector<16xf32>,
      %add3A_312 = arith.constant 200 : i32
      %add3A_313 = vector.broadcast %add3A_312 : i32 to vector<16xi32>
      %add3A_314 = arith.addi %get3A_303, %add3A_313 : vector<16xi32>
      %gather3A_315 = tpu.vector_load_idx %arg5[%add3A_314] : memref<1600xf32, #tpu.memory_space<vmem>>[vector<16xi32>], vector<16xf32>,
      %add3A_316 = arith.constant 300 : i32
      %add3A_317 = vector.broadcast %add3A_316 : i32 to vector<16xi32>
      %add3A_318 = arith.addi %get3A_303, %add3A_317 : vector<16xi32>
      %gather3A_319 = tpu.vector_load_idx %arg5[%add3A_318] : memref<1600xf32, #tpu.memory_space<vmem>>[vector<16xi32>], vector<16xf32>,
      %add3A_320 = arith.constant 400 : i32
      %add3A_321 = vector.broadcast %add3A_320 : i32 to vector<16xi32>
      %add3A_322 = arith.addi %get3A_303, %add3A_321 : vector<16xi32>
      %gather3A_323 = tpu.vector_load_idx %arg5[%add3A_322] : memref<1600xf32, #tpu.memory_space<vmem>>[vector<16xi32>], vector<16xf32>,
      %add3A_324 = arith.constant 500 : i32
      %add3A_325 = vector.broadcast %add3A_324 : i32 to vector<16xi32>
      %add3A_326 = arith.addi %get3A_303, %add3A_325 : vector<16xi32>
      %gather3A_327 = tpu.vector_load_idx %arg5[%add3A_326] : memref<1600xf32, #tpu.memory_space<vmem>>[vector<16xi32>], vector<16xf32>,
      %add3A_328 = arith.constant 600 : i32
      %add3A_329 = vector.broadcast %add3A_328 : i32 to vector<16xi32>
      %add3A_330 = arith.addi %get3A_303, %add3A_329 : vector<16xi32>
      %gather3A_331 = tpu.vector_load_idx %arg5[%add3A_330] : memref<1600xf32, #tpu.memory_space<vmem>>[vector<16xi32>], vector<16xf32>,
      %add3A_332 = arith.constant 700 : i32
      %add3A_333 = vector.broadcast %add3A_332 : i32 to vector<16xi32>
      %add3A_334 = arith.addi %get3A_303, %add3A_333 : vector<16xi32>
      %gather3A_335 = tpu.vector_load_idx %arg5[%add3A_334] : memref<1600xf32, #tpu.memory_space<vmem>>[vector<16xi32>], vector<16xf32>,
      %add3A_336 = arith.constant 800 : i32
      %add3A_337 = vector.broadcast %add3A_336 : i32 to vector<16xi32>
      %add3A_338 = arith.addi %get3A_303, %add3A_337 : vector<16xi32>
      %gather3A_339 = tpu.vector_load_idx %arg5[%add3A_338] : memref<1600xf32, #tpu.memory_space<vmem>>[vector<16xi32>], vector<16xf32>,
      %add3A_340 = arith.constant 900 : i32
      %add3A_341 = vector.broadcast %add3A_340 : i32 to vector<16xi32>
      %add3A_342 = arith.addi %get3A_303, %add3A_341 : vector<16xi32>
      %gather3A_343 = tpu.vector_load_idx %arg5[%add3A_342] : memref<1600xf32, #tpu.memory_space<vmem>>[vector<16xi32>], vector<16xf32>,
      %add3A_344 = arith.constant 1000 : i32
      %add3A_345 = vector.broadcast %add3A_344 : i32 to vector<16xi32>
      %add3A_346 = arith.addi %get3A_303, %add3A_345 : vector<16xi32>
      %gather3A_347 = tpu.vector_load_idx %arg5[%add3A_346] : memref<1600xf32, #tpu.memory_space<vmem>>[vector<16xi32>], vector<16xf32>,
      %add3A_348 = arith.constant 1100 : i32
      %add3A_349 = vector.broadcast %add3A_348 : i32 to vector<16xi32>
      %add3A_350 = arith.addi %get3A_303, %add3A_349 : vector<16xi32>
      %gather3A_351 = tpu.vector_load_idx %arg5[%add3A_350] : memref<1600xf32, #tpu.memory_space<vmem>>[vector<16xi32>], vector<16xf32>,
      %add3A_352 = arith.constant 1200 : i32
      %add3A_353 = vector.broadcast %add3A_352 : i32 to vector<16xi32>
      %add3A_354 = arith.addi %get3A_303, %add3A_353 : vector<16xi32>
      %gather3A_355 = tpu.vector_load_idx %arg5[%add3A_354] : memref<1600xf32, #tpu.memory_space<vmem>>[vector<16xi32>], vector<16xf32>,
      %add3A_356 = arith.constant 1300 : i32
      %add3A_357 = vector.broadcast %add3A_356 : i32 to vector<16xi32>
      %add3A_358 = arith.addi %get3A_303, %add3A_357 : vector<16xi32>
      %gather3A_359 = tpu.vector_load_idx %arg5[%add3A_358] : memref<1600xf32, #tpu.memory_space<vmem>>[vector<16xi32>], vector<16xf32>,
      %add3A_360 = arith.constant 1400 : i32
      %add3A_361 = vector.broadcast %add3A_360 : i32 to vector<16xi32>
      %add3A_362 = arith.addi %get3A_303, %add3A_361 : vector<16xi32>
      %gather3A_363 = tpu.vector_load_idx %arg5[%add3A_362] : memref<1600xf32, #tpu.memory_space<vmem>>[vector<16xi32>], vector<16xf32>,
      %add3A_364 = arith.constant 1500 : i32
      %add3A_365 = vector.broadcast %add3A_364 : i32 to vector<16xi32>
      %add3A_366 = arith.addi %get3A_303, %add3A_365 : vector<16xi32>
      %gather3A_367 = tpu.vector_load_idx %arg5[%add3A_366] : memref<1600xf32, #tpu.memory_space<vmem>>[vector<16xi32>], vector<16xf32>,
      %scan3A_368 = arith.constant 1664 : i32
      %scan3A_369 = arith.constant 1 : i32
      %scan3A_370 = arith.constant 47 : i32
      %scan3A_371 = arith.addi %scan3A_369, %scan3A_370 : i32
      %scan3A_372 = arith.constant 1 : i32
      %scan3A_373:17 = scf.for %scan3A_639 = %scan3A_369 to %scan3A_371 step %scan3A_372 iter_args(%scan3A_640 = %scan3A_368, %scan3A_641 = %gather3A_307, %scan3A_642 = %gather3A_311, %scan3A_643 = %gather3A_315, %scan3A_644 = %gather3A_319, %scan3A_645 = %gather3A_323, %scan3A_646 = %gather3A_327, %scan3A_647 = %gather3A_331, %scan3A_648 = %gather3A_335, %scan3A_649 = %gather3A_339, %scan3A_650 = %gather3A_343, %scan3A_651 = %gather3A_347, %scan3A_652 = %gather3A_351, %scan3A_653 = %gather3A_355, %scan3A_654 = %gather3A_359, %scan3A_655 = %gather3A_363, %scan3A_656 = %gather3A_367) -> (i32, vector<16xf32>, vector<16xf32>, vector<16xf32>, vector<16xf32>, vector<16xf32>, vector<16xf32>, vector<16xf32>, vector<16xf32>, vector<16xf32>, vector<16xf32>, vector<16xf32>, vector<16xf32>, vector<16xf32>, vector<16xf32>, vector<16xf32>, vector<16xf32>)  : i32 {
        %mul3A_657 = arith.constant 16 : i32
        %mul3A_658 = arith.muli %scan3A_639, %mul3A_657 : i32
        %add3A_659 = arith.constant 1664 : i32
        %add3A_660 = arith.addi %add3A_659, %mul3A_658 : i32
        %get3A_661 = arith.index_cast %add3A_660 : i32 to index
        %get3A_662 = tpu.vector_load %arg6[%get3A_661] {strides = array<i32>} : memref<3200xi32, #tpu.memory_space<vmem>>, vector<16xi32>,
        %add3A_663 = arith.constant 0 : i32
        %add3A_664 = vector.broadcast %add3A_663 : i32 to vector<16xi32>
        %add3A_665 = arith.addi %get3A_662, %add3A_664 : vector<16xi32>
        %gather3A_666 = tpu.vector_load_idx %arg5[%add3A_665] : memref<1600xf32, #tpu.memory_space<vmem>>[vector<16xi32>], vector<16xf32>,
        %swap3A_667 = arith.constant 0 : i32
        %swap3A_668 = arith.index_cast %swap3A_667 : i32 to index
        %swap3A_669 = arith.index_cast %scan3A_640 : i32 to index
        %swap3A_670 = tpu.vector_load %arg7[%swap3A_668, %swap3A_669] {strides = array<i32>} : memref<16x3200xf32, #tpu.memory_space<vmem>>, vector<16xf32>,
        tpu.vector_store %arg7[%swap3A_668, %swap3A_669], %scan3A_641 {strides = array<i32>} : memref<16x3200xf32, #tpu.memory_space<vmem>>, vector<16xf32>,
        %add3A_671 = arith.constant 100 : i32
        %add3A_672 = vector.broadcast %add3A_671 : i32 to vector<16xi32>
        %add3A_673 = arith.addi %get3A_662, %add3A_672 : vector<16xi32>
        %gather3A_674 = tpu.vector_load_idx %arg5[%add3A_673] : memref<1600xf32, #tpu.memory_space<vmem>>[vector<16xi32>], vector<16xf32>,
        %swap3A_675 = arith.constant 1 : i32
        %swap3A_676 = arith.index_cast %swap3A_675 : i32 to index
        %swap3A_677 = arith.index_cast %scan3A_640 : i32 to index
        %swap3A_678 = tpu.vector_load %arg7[%swap3A_676, %swap3A_677] {strides = array<i32>} : memref<16x3200xf32, #tpu.memory_space<vmem>>, vector<16xf32>,
        tpu.vector_store %arg7[%swap3A_676, %swap3A_677], %scan3A_642 {strides = array<i32>} : memref<16x3200xf32, #tpu.memory_space<vmem>>, vector<16xf32>,
        %add3A_679 = arith.constant 200 : i32
        %add3A_680 = vector.broadcast %add3A_679 : i32 to vector<16xi32>
        %add3A_681 = arith.addi %get3A_662, %add3A_680 : vector<16xi32>
        %gather3A_682 = tpu.vector_load_idx %arg5[%add3A_681] : memref<1600xf32, #tpu.memory_space<vmem>>[vector<16xi32>], vector<16xf32>,
        %swap3A_683 = arith.constant 2 : i32
        %swap3A_684 = arith.index_cast %swap3A_683 : i32 to index
        %swap3A_685 = arith.index_cast %scan3A_640 : i32 to index
        %swap3A_686 = tpu.vector_load %arg7[%swap3A_684, %swap3A_685] {strides = array<i32>} : memref<16x3200xf32, #tpu.memory_space<vmem>>, vector<16xf32>,
        tpu.vector_store %arg7[%swap3A_684, %swap3A_685], %scan3A_643 {strides = array<i32>} : memref<16x3200xf32, #tpu.memory_space<vmem>>, vector<16xf32>,
        %add3A_687 = arith.constant 300 : i32
        %add3A_688 = vector.broadcast %add3A_687 : i32 to vector<16xi32>
        %add3A_689 = arith.addi %get3A_662, %add3A_688 : vector<16xi32>
        %gather3A_690 = tpu.vector_load_idx %arg5[%add3A_689] : memref<1600xf32, #tpu.memory_space<vmem>>[vector<16xi32>], vector<16xf32>,
        %swap3A_691 = arith.constant 3 : i32
        %swap3A_692 = arith.index_cast %swap3A_691 : i32 to index
        %swap3A_693 = arith.index_cast %scan3A_640 : i32 to index
        %swap3A_694 = tpu.vector_load %arg7[%swap3A_692, %swap3A_693] {strides = array<i32>} : memref<16x3200xf32, #tpu.memory_space<vmem>>, vector<16xf32>,
        tpu.vector_store %arg7[%swap3A_692, %swap3A_693], %scan3A_644 {strides = array<i32>} : memref<16x3200xf32, #tpu.memory_space<vmem>>, vector<16xf32>,
        %add3A_695 = arith.constant 400 : i32
        %add3A_696 = vector.broadcast %add3A_695 : i32 to vector<16xi32>
        %add3A_697 = arith.addi %get3A_662, %add3A_696 : vector<16xi32>
        %gather3A_698 = tpu.vector_load_idx %arg5[%add3A_697] : memref<1600xf32, #tpu.memory_space<vmem>>[vector<16xi32>], vector<16xf32>,
        %swap3A_699 = arith.constant 4 : i32
        %swap3A_700 = arith.index_cast %swap3A_699 : i32 to index
        %swap3A_701 = arith.index_cast %scan3A_640 : i32 to index
        %swap3A_702 = tpu.vector_load %arg7[%swap3A_700, %swap3A_701] {strides = array<i32>} : memref<16x3200xf32, #tpu.memory_space<vmem>>, vector<16xf32>,
        tpu.vector_store %arg7[%swap3A_700, %swap3A_701], %scan3A_645 {strides = array<i32>} : memref<16x3200xf32, #tpu.memory_space<vmem>>, vector<16xf32>,
        %add3A_703 = arith.constant 500 : i32
        %add3A_704 = vector.broadcast %add3A_703 : i32 to vector<16xi32>
        %add3A_705 = arith.addi %get3A_662, %add3A_704 : vector<16xi32>
        %gather3A_706 = tpu.vector_load_idx %arg5[%add3A_705] : memref<1600xf32, #tpu.memory_space<vmem>>[vector<16xi32>], vector<16xf32>,
        %swap3A_707 = arith.constant 5 : i32
        %swap3A_708 = arith.index_cast %swap3A_707 : i32 to index
        %swap3A_709 = arith.index_cast %scan3A_640 : i32 to index
        %swap3A_710 = tpu.vector_load %arg7[%swap3A_708, %swap3A_709] {strides = array<i32>} : memref<16x3200xf32, #tpu.memory_space<vmem>>, vector<16xf32>,
        tpu.vector_store %arg7[%swap3A_708, %swap3A_709], %scan3A_646 {strides = array<i32>} : memref<16x3200xf32, #tpu.memory_space<vmem>>, vector<16xf32>,
        %add3A_711 = arith.constant 600 : i32
        %add3A_712 = vector.broadcast %add3A_711 : i32 to vector<16xi32>
        %add3A_713 = arith.addi %get3A_662, %add3A_712 : vector<16xi32>
        %gather3A_714 = tpu.vector_load_idx %arg5[%add3A_713] : memref<1600xf32, #tpu.memory_space<vmem>>[vector<16xi32>], vector<16xf32>,
        %swap3A_715 = arith.constant 6 : i32
        %swap3A_716 = arith.index_cast %swap3A_715 : i32 to index
        %swap3A_717 = arith.index_cast %scan3A_640 : i32 to index
        %swap3A_718 = tpu.vector_load %arg7[%swap3A_716, %swap3A_717] {strides = array<i32>} : memref<16x3200xf32, #tpu.memory_space<vmem>>, vector<16xf32>,
        tpu.vector_store %arg7[%swap3A_716, %swap3A_717], %scan3A_647 {strides = array<i32>} : memref<16x3200xf32, #tpu.memory_space<vmem>>, vector<16xf32>,
        %add3A_719 = arith.constant 700 : i32
        %add3A_720 = vector.broadcast %add3A_719 : i32 to vector<16xi32>
        %add3A_721 = arith.addi %get3A_662, %add3A_720 : vector<16xi32>
        %gather3A_722 = tpu.vector_load_idx %arg5[%add3A_721] : memref<1600xf32, #tpu.memory_space<vmem>>[vector<16xi32>], vector<16xf32>,
        %swap3A_723 = arith.constant 7 : i32
        %swap3A_724 = arith.index_cast %swap3A_723 : i32 to index
        %swap3A_725 = arith.index_cast %scan3A_640 : i32 to index
        %swap3A_726 = tpu.vector_load %arg7[%swap3A_724, %swap3A_725] {strides = array<i32>} : memref<16x3200xf32, #tpu.memory_space<vmem>>, vector<16xf32>,
        tpu.vector_store %arg7[%swap3A_724, %swap3A_725], %scan3A_648 {strides = array<i32>} : memref<16x3200xf32, #tpu.memory_space<vmem>>, vector<16xf32>,
        %add3A_727 = arith.constant 800 : i32
        %add3A_728 = vector.broadcast %add3A_727 : i32 to vector<16xi32>
        %add3A_729 = arith.addi %get3A_662, %add3A_728 : vector<16xi32>
        %gather3A_730 = tpu.vector_load_idx %arg5[%add3A_729] : memref<1600xf32, #tpu.memory_space<vmem>>[vector<16xi32>], vector<16xf32>,
        %swap3A_731 = arith.constant 8 : i32
        %swap3A_732 = arith.index_cast %swap3A_731 : i32 to index
        %swap3A_733 = arith.index_cast %scan3A_640 : i32 to index
        %swap3A_734 = tpu.vector_load %arg7[%swap3A_732, %swap3A_733] {strides = array<i32>} : memref<16x3200xf32, #tpu.memory_space<vmem>>, vector<16xf32>,
        tpu.vector_store %arg7[%swap3A_732, %swap3A_733], %scan3A_649 {strides = array<i32>} : memref<16x3200xf32, #tpu.memory_space<vmem>>, vector<16xf32>,
        %add3A_735 = arith.constant 900 : i32
        %add3A_736 = vector.broadcast %add3A_735 : i32 to vector<16xi32>
        %add3A_737 = arith.addi %get3A_662, %add3A_736 : vector<16xi32>
        %gather3A_738 = tpu.vector_load_idx %arg5[%add3A_737] : memref<1600xf32, #tpu.memory_space<vmem>>[vector<16xi32>], vector<16xf32>,
        %swap3A_739 = arith.constant 9 : i32
        %swap3A_740 = arith.index_cast %swap3A_739 : i32 to index
        %swap3A_741 = arith.index_cast %scan3A_640 : i32 to index
        %swap3A_742 = tpu.vector_load %arg7[%swap3A_740, %swap3A_741] {strides = array<i32>} : memref<16x3200xf32, #tpu.memory_space<vmem>>, vector<16xf32>,
        tpu.vector_store %arg7[%swap3A_740, %swap3A_741], %scan3A_650 {strides = array<i32>} : memref<16x3200xf32, #tpu.memory_space<vmem>>, vector<16xf32>,
        %add3A_743 = arith.constant 1000 : i32
        %add3A_744 = vector.broadcast %add3A_743 : i32 to vector<16xi32>
        %add3A_745 = arith.addi %get3A_662, %add3A_744 : vector<16xi32>
        %gather3A_746 = tpu.vector_load_idx %arg5[%add3A_745] : memref<1600xf32, #tpu.memory_space<vmem>>[vector<16xi32>], vector<16xf32>,
        %swap3A_747 = arith.constant 10 : i32
        %swap3A_748 = arith.index_cast %swap3A_747 : i32 to index
        %swap3A_749 = arith.index_cast %scan3A_640 : i32 to index
        %swap3A_750 = tpu.vector_load %arg7[%swap3A_748, %swap3A_749] {strides = array<i32>} : memref<16x3200xf32, #tpu.memory_space<vmem>>, vector<16xf32>,
        tpu.vector_store %arg7[%swap3A_748, %swap3A_749], %scan3A_651 {strides = array<i32>} : memref<16x3200xf32, #tpu.memory_space<vmem>>, vector<16xf32>,
        %add3A_751 = arith.constant 1100 : i32
        %add3A_752 = vector.broadcast %add3A_751 : i32 to vector<16xi32>
        %add3A_753 = arith.addi %get3A_662, %add3A_752 : vector<16xi32>
        %gather3A_754 = tpu.vector_load_idx %arg5[%add3A_753] : memref<1600xf32, #tpu.memory_space<vmem>>[vector<16xi32>], vector<16xf32>,
        %swap3A_755 = arith.constant 11 : i32
        %swap3A_756 = arith.index_cast %swap3A_755 : i32 to index
        %swap3A_757 = arith.index_cast %scan3A_640 : i32 to index
        %swap3A_758 = tpu.vector_load %arg7[%swap3A_756, %swap3A_757] {strides = array<i32>} : memref<16x3200xf32, #tpu.memory_space<vmem>>, vector<16xf32>,
        tpu.vector_store %arg7[%swap3A_756, %swap3A_757], %scan3A_652 {strides = array<i32>} : memref<16x3200xf32, #tpu.memory_space<vmem>>, vector<16xf32>,
        %add3A_759 = arith.constant 1200 : i32
        %add3A_760 = vector.broadcast %add3A_759 : i32 to vector<16xi32>
        %add3A_761 = arith.addi %get3A_662, %add3A_760 : vector<16xi32>
        %gather3A_762 = tpu.vector_load_idx %arg5[%add3A_761] : memref<1600xf32, #tpu.memory_space<vmem>>[vector<16xi32>], vector<16xf32>,
        %swap3A_763 = arith.constant 12 : i32
        %swap3A_764 = arith.index_cast %swap3A_763 : i32 to index
        %swap3A_765 = arith.index_cast %scan3A_640 : i32 to index
        %swap3A_766 = tpu.vector_load %arg7[%swap3A_764, %swap3A_765] {strides = array<i32>} : memref<16x3200xf32, #tpu.memory_space<vmem>>, vector<16xf32>,
        tpu.vector_store %arg7[%swap3A_764, %swap3A_765], %scan3A_653 {strides = array<i32>} : memref<16x3200xf32, #tpu.memory_space<vmem>>, vector<16xf32>,
        %add3A_767 = arith.constant 1300 : i32
        %add3A_768 = vector.broadcast %add3A_767 : i32 to vector<16xi32>
        %add3A_769 = arith.addi %get3A_662, %add3A_768 : vector<16xi32>
        %gather3A_770 = tpu.vector_load_idx %arg5[%add3A_769] : memref<1600xf32, #tpu.memory_space<vmem>>[vector<16xi32>], vector<16xf32>,
        %swap3A_771 = arith.constant 13 : i32
        %swap3A_772 = arith.index_cast %swap3A_771 : i32 to index
        %swap3A_773 = arith.index_cast %scan3A_640 : i32 to index
        %swap3A_774 = tpu.vector_load %arg7[%swap3A_772, %swap3A_773] {strides = array<i32>} : memref<16x3200xf32, #tpu.memory_space<vmem>>, vector<16xf32>,
        tpu.vector_store %arg7[%swap3A_772, %swap3A_773], %scan3A_654 {strides = array<i32>} : memref<16x3200xf32, #tpu.memory_space<vmem>>, vector<16xf32>,
        %add3A_775 = arith.constant 1400 : i32
        %add3A_776 = vector.broadcast %add3A_775 : i32 to vector<16xi32>
        %add3A_777 = arith.addi %get3A_662, %add3A_776 : vector<16xi32>
        %gather3A_778 = tpu.vector_load_idx %arg5[%add3A_777] : memref<1600xf32, #tpu.memory_space<vmem>>[vector<16xi32>], vector<16xf32>,
        %swap3A_779 = arith.constant 14 : i32
        %swap3A_780 = arith.index_cast %swap3A_779 : i32 to index
        %swap3A_781 = arith.index_cast %scan3A_640 : i32 to index
        %swap3A_782 = tpu.vector_load %arg7[%swap3A_780, %swap3A_781] {strides = array<i32>} : memref<16x3200xf32, #tpu.memory_space<vmem>>, vector<16xf32>,
        tpu.vector_store %arg7[%swap3A_780, %swap3A_781], %scan3A_655 {strides = array<i32>} : memref<16x3200xf32, #tpu.memory_space<vmem>>, vector<16xf32>,
        %add3A_783 = arith.constant 1500 : i32
        %add3A_784 = vector.broadcast %add3A_783 : i32 to vector<16xi32>
        %add3A_785 = arith.addi %get3A_662, %add3A_784 : vector<16xi32>
        %gather3A_786 = tpu.vector_load_idx %arg5[%add3A_785] : memref<1600xf32, #tpu.memory_space<vmem>>[vector<16xi32>], vector<16xf32>,
        %swap3A_787 = arith.constant 15 : i32
        %swap3A_788 = arith.index_cast %swap3A_787 : i32 to index
        %swap3A_789 = arith.index_cast %scan3A_640 : i32 to index
        %swap3A_790 = tpu.vector_load %arg7[%swap3A_788, %swap3A_789] {strides = array<i32>} : memref<16x3200xf32, #tpu.memory_space<vmem>>, vector<16xf32>,
        tpu.vector_store %arg7[%swap3A_788, %swap3A_789], %scan3A_656 {strides = array<i32>} : memref<16x3200xf32, #tpu.memory_space<vmem>>, vector<16xf32>,
        scf.yield %add3A_660, %gather3A_666, %gather3A_674, %gather3A_682, %gather3A_690, %gather3A_698, %gather3A_706, %gather3A_714, %gather3A_722, %gather3A_730, %gather3A_738, %gather3A_746, %gather3A_754, %gather3A_762, %gather3A_770, %gather3A_778, %gather3A_786 : i32, vector<16xf32>, vector<16xf32>, vector<16xf32>, vector<16xf32>, vector<16xf32>, vector<16xf32>, vector<16xf32>, vector<16xf32>, vector<16xf32>, vector<16xf32>, vector<16xf32>, vector<16xf32>, vector<16xf32>, vector<16xf32>, vector<16xf32>, vector<16xf32>
      }
      %scan3A_374 = arith.constant 47 : i32
      %swap3A_375 = arith.constant 0 : i32
      %swap3A_376 = arith.index_cast %swap3A_375 : i32 to index
      %swap3A_377 = arith.index_cast %scan3A_373#0 : i32 to index
      %swap3A_378 = tpu.vector_load %arg7[%swap3A_376, %swap3A_377] {strides = array<i32>} : memref<16x3200xf32, #tpu.memory_space<vmem>>, vector<16xf32>,
      tpu.vector_store %arg7[%swap3A_376, %swap3A_377], %scan3A_373#1 {strides = array<i32>} : memref<16x3200xf32, #tpu.memory_space<vmem>>, vector<16xf32>,
      %swap3A_379 = arith.constant 1 : i32
      %swap3A_380 = arith.index_cast %swap3A_379 : i32 to index
      %swap3A_381 = arith.index_cast %scan3A_373#0 : i32 to index
      %swap3A_382 = tpu.vector_load %arg7[%swap3A_380, %swap3A_381] {strides = array<i32>} : memref<16x3200xf32, #tpu.memory_space<vmem>>, vector<16xf32>,
      tpu.vector_store %arg7[%swap3A_380, %swap3A_381], %scan3A_373#2 {strides = array<i32>} : memref<16x3200xf32, #tpu.memory_space<vmem>>, vector<16xf32>,
      %swap3A_383 = arith.constant 2 : i32
      %swap3A_384 = arith.index_cast %swap3A_383 : i32 to index
      %swap3A_385 = arith.index_cast %scan3A_373#0 : i32 to index
      %swap3A_386 = tpu.vector_load %arg7[%swap3A_384, %swap3A_385] {strides = array<i32>} : memref<16x3200xf32, #tpu.memory_space<vmem>>, vector<16xf32>,
      tpu.vector_store %arg7[%swap3A_384, %swap3A_385], %scan3A_373#3 {strides = array<i32>} : memref<16x3200xf32, #tpu.memory_space<vmem>>, vector<16xf32>,
      %swap3A_387 = arith.constant 3 : i32
      %swap3A_388 = arith.index_cast %swap3A_387 : i32 to index
      %swap3A_389 = arith.index_cast %scan3A_373#0 : i32 to index
      %swap3A_390 = tpu.vector_load %arg7[%swap3A_388, %swap3A_389] {strides = array<i32>} : memref<16x3200xf32, #tpu.memory_space<vmem>>, vector<16xf32>,
      tpu.vector_store %arg7[%swap3A_388, %swap3A_389], %scan3A_373#4 {strides = array<i32>} : memref<16x3200xf32, #tpu.memory_space<vmem>>, vector<16xf32>,
      %swap3A_391 = arith.constant 4 : i32
      %swap3A_392 = arith.index_cast %swap3A_391 : i32 to index
      %swap3A_393 = arith.index_cast %scan3A_373#0 : i32 to index
      %swap3A_394 = tpu.vector_load %arg7[%swap3A_392, %swap3A_393] {strides = array<i32>} : memref<16x3200xf32, #tpu.memory_space<vmem>>, vector<16xf32>,
      tpu.vector_store %arg7[%swap3A_392, %swap3A_393], %scan3A_373#5 {strides = array<i32>} : memref<16x3200xf32, #tpu.memory_space<vmem>>, vector<16xf32>,
      %swap3A_395 = arith.constant 5 : i32
      %swap3A_396 = arith.index_cast %swap3A_395 : i32 to index
      %swap3A_397 = arith.index_cast %scan3A_373#0 : i32 to index
      %swap3A_398 = tpu.vector_load %arg7[%swap3A_396, %swap3A_397] {strides = array<i32>} : memref<16x3200xf32, #tpu.memory_space<vmem>>, vector<16xf32>,
      tpu.vector_store %arg7[%swap3A_396, %swap3A_397], %scan3A_373#6 {strides = array<i32>} : memref<16x3200xf32, #tpu.memory_space<vmem>>, vector<16xf32>,
      %swap3A_399 = arith.constant 6 : i32
      %swap3A_400 = arith.index_cast %swap3A_399 : i32 to index
      %swap3A_401 = arith.index_cast %scan3A_373#0 : i32 to index
      %swap3A_402 = tpu.vector_load %arg7[%swap3A_400, %swap3A_401] {strides = array<i32>} : memref<16x3200xf32, #tpu.memory_space<vmem>>, vector<16xf32>,
      tpu.vector_store %arg7[%swap3A_400, %swap3A_401], %scan3A_373#7 {strides = array<i32>} : memref<16x3200xf32, #tpu.memory_space<vmem>>, vector<16xf32>,
      %swap3A_403 = arith.constant 7 : i32
      %swap3A_404 = arith.index_cast %swap3A_403 : i32 to index
      %swap3A_405 = arith.index_cast %scan3A_373#0 : i32 to index
      %swap3A_406 = tpu.vector_load %arg7[%swap3A_404, %swap3A_405] {strides = array<i32>} : memref<16x3200xf32, #tpu.memory_space<vmem>>, vector<16xf32>,
      tpu.vector_store %arg7[%swap3A_404, %swap3A_405], %scan3A_373#8 {strides = array<i32>} : memref<16x3200xf32, #tpu.memory_space<vmem>>, vector<16xf32>,
      %swap3A_407 = arith.constant 8 : i32
      %swap3A_408 = arith.index_cast %swap3A_407 : i32 to index
      %swap3A_409 = arith.index_cast %scan3A_373#0 : i32 to index
      %swap3A_410 = tpu.vector_load %arg7[%swap3A_408, %swap3A_409] {strides = array<i32>} : memref<16x3200xf32, #tpu.memory_space<vmem>>, vector<16xf32>,
      tpu.vector_store %arg7[%swap3A_408, %swap3A_409], %scan3A_373#9 {strides = array<i32>} : memref<16x3200xf32, #tpu.memory_space<vmem>>, vector<16xf32>,
      %swap3A_411 = arith.constant 9 : i32
      %swap3A_412 = arith.index_cast %swap3A_411 : i32 to index
      %swap3A_413 = arith.index_cast %scan3A_373#0 : i32 to index
      %swap3A_414 = tpu.vector_load %arg7[%swap3A_412, %swap3A_413] {strides = array<i32>} : memref<16x3200xf32, #tpu.memory_space<vmem>>, vector<16xf32>,
      tpu.vector_store %arg7[%swap3A_412, %swap3A_413], %scan3A_373#10 {strides = array<i32>} : memref<16x3200xf32, #tpu.memory_space<vmem>>, vector<16xf32>,
      %swap3A_415 = arith.constant 10 : i32
      %swap3A_416 = arith.index_cast %swap3A_415 : i32 to index
      %swap3A_417 = arith.index_cast %scan3A_373#0 : i32 to index
      %swap3A_418 = tpu.vector_load %arg7[%swap3A_416, %swap3A_417] {strides = array<i32>} : memref<16x3200xf32, #tpu.memory_space<vmem>>, vector<16xf32>,
      tpu.vector_store %arg7[%swap3A_416, %swap3A_417], %scan3A_373#11 {strides = array<i32>} : memref<16x3200xf32, #tpu.memory_space<vmem>>, vector<16xf32>,
      %swap3A_419 = arith.constant 11 : i32
      %swap3A_420 = arith.index_cast %swap3A_419 : i32 to index
      %swap3A_421 = arith.index_cast %scan3A_373#0 : i32 to index
      %swap3A_422 = tpu.vector_load %arg7[%swap3A_420, %swap3A_421] {strides = array<i32>} : memref<16x3200xf32, #tpu.memory_space<vmem>>, vector<16xf32>,
      tpu.vector_store %arg7[%swap3A_420, %swap3A_421], %scan3A_373#12 {strides = array<i32>} : memref<16x3200xf32, #tpu.memory_space<vmem>>, vector<16xf32>,
      %swap3A_423 = arith.constant 12 : i32
      %swap3A_424 = arith.index_cast %swap3A_423 : i32 to index
      %swap3A_425 = arith.index_cast %scan3A_373#0 : i32 to index
      %swap3A_426 = tpu.vector_load %arg7[%swap3A_424, %swap3A_425] {strides = array<i32>} : memref<16x3200xf32, #tpu.memory_space<vmem>>, vector<16xf32>,
      tpu.vector_store %arg7[%swap3A_424, %swap3A_425], %scan3A_373#13 {strides = array<i32>} : memref<16x3200xf32, #tpu.memory_space<vmem>>, vector<16xf32>,
      %swap3A_427 = arith.constant 13 : i32
      %swap3A_428 = arith.index_cast %swap3A_427 : i32 to index
      %swap3A_429 = arith.index_cast %scan3A_373#0 : i32 to index
      %swap3A_430 = tpu.vector_load %arg7[%swap3A_428, %swap3A_429] {strides = array<i32>} : memref<16x3200xf32, #tpu.memory_space<vmem>>, vector<16xf32>,
      tpu.vector_store %arg7[%swap3A_428, %swap3A_429], %scan3A_373#14 {strides = array<i32>} : memref<16x3200xf32, #tpu.memory_space<vmem>>, vector<16xf32>,
      %swap3A_431 = arith.constant 14 : i32
      %swap3A_432 = arith.index_cast %swap3A_431 : i32 to index
      %swap3A_433 = arith.index_cast %scan3A_373#0 : i32 to index
      %swap3A_434 = tpu.vector_load %arg7[%swap3A_432, %swap3A_433] {strides = array<i32>} : memref<16x3200xf32, #tpu.memory_space<vmem>>, vector<16xf32>,
      tpu.vector_store %arg7[%swap3A_432, %swap3A_433], %scan3A_373#15 {strides = array<i32>} : memref<16x3200xf32, #tpu.memory_space<vmem>>, vector<16xf32>,
      %swap3A_435 = arith.constant 15 : i32
      %swap3A_436 = arith.index_cast %swap3A_435 : i32 to index
      %swap3A_437 = arith.index_cast %scan3A_373#0 : i32 to index
      %swap3A_438 = tpu.vector_load %arg7[%swap3A_436, %swap3A_437] {strides = array<i32>} : memref<16x3200xf32, #tpu.memory_space<vmem>>, vector<16xf32>,
      tpu.vector_store %arg7[%swap3A_436, %swap3A_437], %scan3A_373#16 {strides = array<i32>} : memref<16x3200xf32, #tpu.memory_space<vmem>>, vector<16xf32>,
      %add3A_439 = arith.constant 1664 : i32
      %add3A_440 = arith.addi %mul3A_2, %add3A_439 : i32
      %dma_start3A_441 = arith.constant 0 : i32
      %dma_start3A_442 = arith.constant 1664 : i32
      %dma_start3A_443 = tpu.memref_slice %arg7[%dma_start3A_441, %dma_start3A_442] : memref<16x3200xf32, #tpu.memory_space<vmem>> -> memref<16x768xf32, #tpu.memory_space<vmem>>
      %dma_start3A_444 = arith.constant 0 : i32
      %dma_start3A_445 = tpu.memref_slice %arg4[%dma_start3A_444, %add3A_440] : memref<16x100000xf32, #tpu.memory_space<hbm>> -> memref<16x768xf32, #tpu.memory_space<hbm>>
      %dma_start3A_446 = arith.constant 0 : i32
      %dma_start3A_447 = tpu.memref_slice %arg4[%dma_start3A_446, %add3A_440] : memref<16x100000xf32, #tpu.memory_space<hbm>> -> memref<16x768xf32, #tpu.memory_space<hbm>>
      %dma_start3A_448 = arith.constant 0 : i32
      %dma_start3A_449 = arith.constant 1664 : i32
      %dma_start3A_450 = tpu.memref_slice %arg7[%dma_start3A_448, %dma_start3A_449] : memref<16x3200xf32, #tpu.memory_space<vmem>> -> memref<16x768xf32, #tpu.memory_space<vmem>>
      tpu.enqueue_dma source(%dma_start3A_450 : memref<16x768xf32, #tpu.memory_space<vmem>>) target(%dma_start3A_447 : memref<16x768xf32, #tpu.memory_space<hbm>>) target_semaphore(%arg8 : memref<!tpu.dma_semaphore, #tpu.memory_space<semaphore_mem>>)
      %get3A_451 = arith.constant 2432 : index
      %get3A_452 = tpu.vector_load %arg6[%get3A_451] {strides = array<i32>} : memref<3200xi32, #tpu.memory_space<vmem>>, vector<16xi32>,
      %add3A_453 = arith.constant 0 : i32
      %add3A_454 = vector.broadcast %add3A_453 : i32 to vector<16xi32>
      %add3A_455 = arith.addi %get3A_452, %add3A_454 : vector<16xi32>
      %gather3A_456 = tpu.vector_load_idx %arg5[%add3A_455] : memref<1600xf32, #tpu.memory_space<vmem>>[vector<16xi32>], vector<16xf32>,
      %add3A_457 = arith.constant 100 : i32
      %add3A_458 = vector.broadcast %add3A_457 : i32 to vector<16xi32>
      %add3A_459 = arith.addi %get3A_452, %add3A_458 : vector<16xi32>
      %gather3A_460 = tpu.vector_load_idx %arg5[%add3A_459] : memref<1600xf32, #tpu.memory_space<vmem>>[vector<16xi32>], vector<16xf32>,
      %add3A_461 = arith.constant 200 : i32
      %add3A_462 = vector.broadcast %add3A_461 : i32 to vector<16xi32>
      %add3A_463 = arith.addi %get3A_452, %add3A_462 : vector<16xi32>
      %gather3A_464 = tpu.vector_load_idx %arg5[%add3A_463] : memref<1600xf32, #tpu.memory_space<vmem>>[vector<16xi32>], vector<16xf32>,
      %add3A_465 = arith.constant 300 : i32
      %add3A_466 = vector.broadcast %add3A_465 : i32 to vector<16xi32>
      %add3A_467 = arith.addi %get3A_452, %add3A_466 : vector<16xi32>
      %gather3A_468 = tpu.vector_load_idx %arg5[%add3A_467] : memref<1600xf32, #tpu.memory_space<vmem>>[vector<16xi32>], vector<16xf32>,
      %add3A_469 = arith.constant 400 : i32
      %add3A_470 = vector.broadcast %add3A_469 : i32 to vector<16xi32>
      %add3A_471 = arith.addi %get3A_452, %add3A_470 : vector<16xi32>
      %gather3A_472 = tpu.vector_load_idx %arg5[%add3A_471] : memref<1600xf32, #tpu.memory_space<vmem>>[vector<16xi32>], vector<16xf32>,
      %add3A_473 = arith.constant 500 : i32
      %add3A_474 = vector.broadcast %add3A_473 : i32 to vector<16xi32>
      %add3A_475 = arith.addi %get3A_452, %add3A_474 : vector<16xi32>
      %gather3A_476 = tpu.vector_load_idx %arg5[%add3A_475] : memref<1600xf32, #tpu.memory_space<vmem>>[vector<16xi32>], vector<16xf32>,
      %add3A_477 = arith.constant 600 : i32
      %add3A_478 = vector.broadcast %add3A_477 : i32 to vector<16xi32>
      %add3A_479 = arith.addi %get3A_452, %add3A_478 : vector<16xi32>
      %gather3A_480 = tpu.vector_load_idx %arg5[%add3A_479] : memref<1600xf32, #tpu.memory_space<vmem>>[vector<16xi32>], vector<16xf32>,
      %add3A_481 = arith.constant 700 : i32
      %add3A_482 = vector.broadcast %add3A_481 : i32 to vector<16xi32>
      %add3A_483 = arith.addi %get3A_452, %add3A_482 : vector<16xi32>
      %gather3A_484 = tpu.vector_load_idx %arg5[%add3A_483] : memref<1600xf32, #tpu.memory_space<vmem>>[vector<16xi32>], vector<16xf32>,
      %add3A_485 = arith.constant 800 : i32
      %add3A_486 = vector.broadcast %add3A_485 : i32 to vector<16xi32>
      %add3A_487 = arith.addi %get3A_452, %add3A_486 : vector<16xi32>
      %gather3A_488 = tpu.vector_load_idx %arg5[%add3A_487] : memref<1600xf32, #tpu.memory_space<vmem>>[vector<16xi32>], vector<16xf32>,
      %add3A_489 = arith.constant 900 : i32
      %add3A_490 = vector.broadcast %add3A_489 : i32 to vector<16xi32>
      %add3A_491 = arith.addi %get3A_452, %add3A_490 : vector<16xi32>
      %gather3A_492 = tpu.vector_load_idx %arg5[%add3A_491] : memref<1600xf32, #tpu.memory_space<vmem>>[vector<16xi32>], vector<16xf32>,
      %add3A_493 = arith.constant 1000 : i32
      %add3A_494 = vector.broadcast %add3A_493 : i32 to vector<16xi32>
      %add3A_495 = arith.addi %get3A_452, %add3A_494 : vector<16xi32>
      %gather3A_496 = tpu.vector_load_idx %arg5[%add3A_495] : memref<1600xf32, #tpu.memory_space<vmem>>[vector<16xi32>], vector<16xf32>,
      %add3A_497 = arith.constant 1100 : i32
      %add3A_498 = vector.broadcast %add3A_497 : i32 to vector<16xi32>
      %add3A_499 = arith.addi %get3A_452, %add3A_498 : vector<16xi32>
      %gather3A_500 = tpu.vector_load_idx %arg5[%add3A_499] : memref<1600xf32, #tpu.memory_space<vmem>>[vector<16xi32>], vector<16xf32>,
      %add3A_501 = arith.constant 1200 : i32
      %add3A_502 = vector.broadcast %add3A_501 : i32 to vector<16xi32>
      %add3A_503 = arith.addi %get3A_452, %add3A_502 : vector<16xi32>
      %gather3A_504 = tpu.vector_load_idx %arg5[%add3A_503] : memref<1600xf32, #tpu.memory_space<vmem>>[vector<16xi32>], vector<16xf32>,
      %add3A_505 = arith.constant 1300 : i32
      %add3A_506 = vector.broadcast %add3A_505 : i32 to vector<16xi32>
      %add3A_507 = arith.addi %get3A_452, %add3A_506 : vector<16xi32>
      %gather3A_508 = tpu.vector_load_idx %arg5[%add3A_507] : memref<1600xf32, #tpu.memory_space<vmem>>[vector<16xi32>], vector<16xf32>,
      %add3A_509 = arith.constant 1400 : i32
      %add3A_510 = vector.broadcast %add3A_509 : i32 to vector<16xi32>
      %add3A_511 = arith.addi %get3A_452, %add3A_510 : vector<16xi32>
      %gather3A_512 = tpu.vector_load_idx %arg5[%add3A_511] : memref<1600xf32, #tpu.memory_space<vmem>>[vector<16xi32>], vector<16xf32>,
      %add3A_513 = arith.constant 1500 : i32
      %add3A_514 = vector.broadcast %add3A_513 : i32 to vector<16xi32>
      %add3A_515 = arith.addi %get3A_452, %add3A_514 : vector<16xi32>
      %gather3A_516 = tpu.vector_load_idx %arg5[%add3A_515] : memref<1600xf32, #tpu.memory_space<vmem>>[vector<16xi32>], vector<16xf32>,
      %scan3A_517 = arith.constant 2432 : i32
      %scan3A_518 = arith.constant 1 : i32
      %scan3A_519 = arith.constant 47 : i32
      %scan3A_520 = arith.addi %scan3A_518, %scan3A_519 : i32
      %scan3A_521 = arith.constant 1 : i32
      %scan3A_522:17 = scf.for %scan3A_639 = %scan3A_518 to %scan3A_520 step %scan3A_521 iter_args(%scan3A_640 = %scan3A_517, %scan3A_641 = %gather3A_456, %scan3A_642 = %gather3A_460, %scan3A_643 = %gather3A_464, %scan3A_644 = %gather3A_468, %scan3A_645 = %gather3A_472, %scan3A_646 = %gather3A_476, %scan3A_647 = %gather3A_480, %scan3A_648 = %gather3A_484, %scan3A_649 = %gather3A_488, %scan3A_650 = %gather3A_492, %scan3A_651 = %gather3A_496, %scan3A_652 = %gather3A_500, %scan3A_653 = %gather3A_504, %scan3A_654 = %gather3A_508, %scan3A_655 = %gather3A_512, %scan3A_656 = %gather3A_516) -> (i32, vector<16xf32>, vector<16xf32>, vector<16xf32>, vector<16xf32>, vector<16xf32>, vector<16xf32>, vector<16xf32>, vector<16xf32>, vector<16xf32>, vector<16xf32>, vector<16xf32>, vector<16xf32>, vector<16xf32>, vector<16xf32>, vector<16xf32>, vector<16xf32>)  : i32 {
        %mul3A_657 = arith.constant 16 : i32
        %mul3A_658 = arith.muli %scan3A_639, %mul3A_657 : i32
        %add3A_659 = arith.constant 2432 : i32
        %add3A_660 = arith.addi %add3A_659, %mul3A_658 : i32
        %get3A_661 = arith.index_cast %add3A_660 : i32 to index
        %get3A_662 = tpu.vector_load %arg6[%get3A_661] {strides = array<i32>} : memref<3200xi32, #tpu.memory_space<vmem>>, vector<16xi32>,
        %add3A_663 = arith.constant 0 : i32
        %add3A_664 = vector.broadcast %add3A_663 : i32 to vector<16xi32>
        %add3A_665 = arith.addi %get3A_662, %add3A_664 : vector<16xi32>
        %gather3A_666 = tpu.vector_load_idx %arg5[%add3A_665] : memref<1600xf32, #tpu.memory_space<vmem>>[vector<16xi32>], vector<16xf32>,
        %swap3A_667 = arith.constant 0 : i32
        %swap3A_668 = arith.index_cast %swap3A_667 : i32 to index
        %swap3A_669 = arith.index_cast %scan3A_640 : i32 to index
        %swap3A_670 = tpu.vector_load %arg7[%swap3A_668, %swap3A_669] {strides = array<i32>} : memref<16x3200xf32, #tpu.memory_space<vmem>>, vector<16xf32>,
        tpu.vector_store %arg7[%swap3A_668, %swap3A_669], %scan3A_641 {strides = array<i32>} : memref<16x3200xf32, #tpu.memory_space<vmem>>, vector<16xf32>,
        %add3A_671 = arith.constant 100 : i32
        %add3A_672 = vector.broadcast %add3A_671 : i32 to vector<16xi32>
        %add3A_673 = arith.addi %get3A_662, %add3A_672 : vector<16xi32>
        %gather3A_674 = tpu.vector_load_idx %arg5[%add3A_673] : memref<1600xf32, #tpu.memory_space<vmem>>[vector<16xi32>], vector<16xf32>,
        %swap3A_675 = arith.constant 1 : i32
        %swap3A_676 = arith.index_cast %swap3A_675 : i32 to index
        %swap3A_677 = arith.index_cast %scan3A_640 : i32 to index
        %swap3A_678 = tpu.vector_load %arg7[%swap3A_676, %swap3A_677] {strides = array<i32>} : memref<16x3200xf32, #tpu.memory_space<vmem>>, vector<16xf32>,
        tpu.vector_store %arg7[%swap3A_676, %swap3A_677], %scan3A_642 {strides = array<i32>} : memref<16x3200xf32, #tpu.memory_space<vmem>>, vector<16xf32>,
        %add3A_679 = arith.constant 200 : i32
        %add3A_680 = vector.broadcast %add3A_679 : i32 to vector<16xi32>
        %add3A_681 = arith.addi %get3A_662, %add3A_680 : vector<16xi32>
        %gather3A_682 = tpu.vector_load_idx %arg5[%add3A_681] : memref<1600xf32, #tpu.memory_space<vmem>>[vector<16xi32>], vector<16xf32>,
        %swap3A_683 = arith.constant 2 : i32
        %swap3A_684 = arith.index_cast %swap3A_683 : i32 to index
        %swap3A_685 = arith.index_cast %scan3A_640 : i32 to index
        %swap3A_686 = tpu.vector_load %arg7[%swap3A_684, %swap3A_685] {strides = array<i32>} : memref<16x3200xf32, #tpu.memory_space<vmem>>, vector<16xf32>,
        tpu.vector_store %arg7[%swap3A_684, %swap3A_685], %scan3A_643 {strides = array<i32>} : memref<16x3200xf32, #tpu.memory_space<vmem>>, vector<16xf32>,
        %add3A_687 = arith.constant 300 : i32
        %add3A_688 = vector.broadcast %add3A_687 : i32 to vector<16xi32>
        %add3A_689 = arith.addi %get3A_662, %add3A_688 : vector<16xi32>
        %gather3A_690 = tpu.vector_load_idx %arg5[%add3A_689] : memref<1600xf32, #tpu.memory_space<vmem>>[vector<16xi32>], vector<16xf32>,
        %swap3A_691 = arith.constant 3 : i32
        %swap3A_692 = arith.index_cast %swap3A_691 : i32 to index
        %swap3A_693 = arith.index_cast %scan3A_640 : i32 to index
        %swap3A_694 = tpu.vector_load %arg7[%swap3A_692, %swap3A_693] {strides = array<i32>} : memref<16x3200xf32, #tpu.memory_space<vmem>>, vector<16xf32>,
        tpu.vector_store %arg7[%swap3A_692, %swap3A_693], %scan3A_644 {strides = array<i32>} : memref<16x3200xf32, #tpu.memory_space<vmem>>, vector<16xf32>,
        %add3A_695 = arith.constant 400 : i32
        %add3A_696 = vector.broadcast %add3A_695 : i32 to vector<16xi32>
        %add3A_697 = arith.addi %get3A_662, %add3A_696 : vector<16xi32>
        %gather3A_698 = tpu.vector_load_idx %arg5[%add3A_697] : memref<1600xf32, #tpu.memory_space<vmem>>[vector<16xi32>], vector<16xf32>,
        %swap3A_699 = arith.constant 4 : i32
        %swap3A_700 = arith.index_cast %swap3A_699 : i32 to index
        %swap3A_701 = arith.index_cast %scan3A_640 : i32 to index
        %swap3A_702 = tpu.vector_load %arg7[%swap3A_700, %swap3A_701] {strides = array<i32>} : memref<16x3200xf32, #tpu.memory_space<vmem>>, vector<16xf32>,
        tpu.vector_store %arg7[%swap3A_700, %swap3A_701], %scan3A_645 {strides = array<i32>} : memref<16x3200xf32, #tpu.memory_space<vmem>>, vector<16xf32>,
        %add3A_703 = arith.constant 500 : i32
        %add3A_704 = vector.broadcast %add3A_703 : i32 to vector<16xi32>
        %add3A_705 = arith.addi %get3A_662, %add3A_704 : vector<16xi32>
        %gather3A_706 = tpu.vector_load_idx %arg5[%add3A_705] : memref<1600xf32, #tpu.memory_space<vmem>>[vector<16xi32>], vector<16xf32>,
        %swap3A_707 = arith.constant 5 : i32
        %swap3A_708 = arith.index_cast %swap3A_707 : i32 to index
        %swap3A_709 = arith.index_cast %scan3A_640 : i32 to index
        %swap3A_710 = tpu.vector_load %arg7[%swap3A_708, %swap3A_709] {strides = array<i32>} : memref<16x3200xf32, #tpu.memory_space<vmem>>, vector<16xf32>,
        tpu.vector_store %arg7[%swap3A_708, %swap3A_709], %scan3A_646 {strides = array<i32>} : memref<16x3200xf32, #tpu.memory_space<vmem>>, vector<16xf32>,
        %add3A_711 = arith.constant 600 : i32
        %add3A_712 = vector.broadcast %add3A_711 : i32 to vector<16xi32>
        %add3A_713 = arith.addi %get3A_662, %add3A_712 : vector<16xi32>
        %gather3A_714 = tpu.vector_load_idx %arg5[%add3A_713] : memref<1600xf32, #tpu.memory_space<vmem>>[vector<16xi32>], vector<16xf32>,
        %swap3A_715 = arith.constant 6 : i32
        %swap3A_716 = arith.index_cast %swap3A_715 : i32 to index
        %swap3A_717 = arith.index_cast %scan3A_640 : i32 to index
        %swap3A_718 = tpu.vector_load %arg7[%swap3A_716, %swap3A_717] {strides = array<i32>} : memref<16x3200xf32, #tpu.memory_space<vmem>>, vector<16xf32>,
        tpu.vector_store %arg7[%swap3A_716, %swap3A_717], %scan3A_647 {strides = array<i32>} : memref<16x3200xf32, #tpu.memory_space<vmem>>, vector<16xf32>,
        %add3A_719 = arith.constant 700 : i32
        %add3A_720 = vector.broadcast %add3A_719 : i32 to vector<16xi32>
        %add3A_721 = arith.addi %get3A_662, %add3A_720 : vector<16xi32>
        %gather3A_722 = tpu.vector_load_idx %arg5[%add3A_721] : memref<1600xf32, #tpu.memory_space<vmem>>[vector<16xi32>], vector<16xf32>,
        %swap3A_723 = arith.constant 7 : i32
        %swap3A_724 = arith.index_cast %swap3A_723 : i32 to index
        %swap3A_725 = arith.index_cast %scan3A_640 : i32 to index
        %swap3A_726 = tpu.vector_load %arg7[%swap3A_724, %swap3A_725] {strides = array<i32>} : memref<16x3200xf32, #tpu.memory_space<vmem>>, vector<16xf32>,
        tpu.vector_store %arg7[%swap3A_724, %swap3A_725], %scan3A_648 {strides = array<i32>} : memref<16x3200xf32, #tpu.memory_space<vmem>>, vector<16xf32>,
        %add3A_727 = arith.constant 800 : i32
        %add3A_728 = vector.broadcast %add3A_727 : i32 to vector<16xi32>
        %add3A_729 = arith.addi %get3A_662, %add3A_728 : vector<16xi32>
        %gather3A_730 = tpu.vector_load_idx %arg5[%add3A_729] : memref<1600xf32, #tpu.memory_space<vmem>>[vector<16xi32>], vector<16xf32>,
        %swap3A_731 = arith.constant 8 : i32
        %swap3A_732 = arith.index_cast %swap3A_731 : i32 to index
        %swap3A_733 = arith.index_cast %scan3A_640 : i32 to index
        %swap3A_734 = tpu.vector_load %arg7[%swap3A_732, %swap3A_733] {strides = array<i32>} : memref<16x3200xf32, #tpu.memory_space<vmem>>, vector<16xf32>,
        tpu.vector_store %arg7[%swap3A_732, %swap3A_733], %scan3A_649 {strides = array<i32>} : memref<16x3200xf32, #tpu.memory_space<vmem>>, vector<16xf32>,
        %add3A_735 = arith.constant 900 : i32
        %add3A_736 = vector.broadcast %add3A_735 : i32 to vector<16xi32>
        %add3A_737 = arith.addi %get3A_662, %add3A_736 : vector<16xi32>
        %gather3A_738 = tpu.vector_load_idx %arg5[%add3A_737] : memref<1600xf32, #tpu.memory_space<vmem>>[vector<16xi32>], vector<16xf32>,
        %swap3A_739 = arith.constant 9 : i32
        %swap3A_740 = arith.index_cast %swap3A_739 : i32 to index
        %swap3A_741 = arith.index_cast %scan3A_640 : i32 to index
        %swap3A_742 = tpu.vector_load %arg7[%swap3A_740, %swap3A_741] {strides = array<i32>} : memref<16x3200xf32, #tpu.memory_space<vmem>>, vector<16xf32>,
        tpu.vector_store %arg7[%swap3A_740, %swap3A_741], %scan3A_650 {strides = array<i32>} : memref<16x3200xf32, #tpu.memory_space<vmem>>, vector<16xf32>,
        %add3A_743 = arith.constant 1000 : i32
        %add3A_744 = vector.broadcast %add3A_743 : i32 to vector<16xi32>
        %add3A_745 = arith.addi %get3A_662, %add3A_744 : vector<16xi32>
        %gather3A_746 = tpu.vector_load_idx %arg5[%add3A_745] : memref<1600xf32, #tpu.memory_space<vmem>>[vector<16xi32>], vector<16xf32>,
        %swap3A_747 = arith.constant 10 : i32
        %swap3A_748 = arith.index_cast %swap3A_747 : i32 to index
        %swap3A_749 = arith.index_cast %scan3A_640 : i32 to index
        %swap3A_750 = tpu.vector_load %arg7[%swap3A_748, %swap3A_749] {strides = array<i32>} : memref<16x3200xf32, #tpu.memory_space<vmem>>, vector<16xf32>,
        tpu.vector_store %arg7[%swap3A_748, %swap3A_749], %scan3A_651 {strides = array<i32>} : memref<16x3200xf32, #tpu.memory_space<vmem>>, vector<16xf32>,
        %add3A_751 = arith.constant 1100 : i32
        %add3A_752 = vector.broadcast %add3A_751 : i32 to vector<16xi32>
        %add3A_753 = arith.addi %get3A_662, %add3A_752 : vector<16xi32>
        %gather3A_754 = tpu.vector_load_idx %arg5[%add3A_753] : memref<1600xf32, #tpu.memory_space<vmem>>[vector<16xi32>], vector<16xf32>,
        %swap3A_755 = arith.constant 11 : i32
        %swap3A_756 = arith.index_cast %swap3A_755 : i32 to index
        %swap3A_757 = arith.index_cast %scan3A_640 : i32 to index
        %swap3A_758 = tpu.vector_load %arg7[%swap3A_756, %swap3A_757] {strides = array<i32>} : memref<16x3200xf32, #tpu.memory_space<vmem>>, vector<16xf32>,
        tpu.vector_store %arg7[%swap3A_756, %swap3A_757], %scan3A_652 {strides = array<i32>} : memref<16x3200xf32, #tpu.memory_space<vmem>>, vector<16xf32>,
        %add3A_759 = arith.constant 1200 : i32
        %add3A_760 = vector.broadcast %add3A_759 : i32 to vector<16xi32>
        %add3A_761 = arith.addi %get3A_662, %add3A_760 : vector<16xi32>
        %gather3A_762 = tpu.vector_load_idx %arg5[%add3A_761] : memref<1600xf32, #tpu.memory_space<vmem>>[vector<16xi32>], vector<16xf32>,
        %swap3A_763 = arith.constant 12 : i32
        %swap3A_764 = arith.index_cast %swap3A_763 : i32 to index
        %swap3A_765 = arith.index_cast %scan3A_640 : i32 to index
        %swap3A_766 = tpu.vector_load %arg7[%swap3A_764, %swap3A_765] {strides = array<i32>} : memref<16x3200xf32, #tpu.memory_space<vmem>>, vector<16xf32>,
        tpu.vector_store %arg7[%swap3A_764, %swap3A_765], %scan3A_653 {strides = array<i32>} : memref<16x3200xf32, #tpu.memory_space<vmem>>, vector<16xf32>,
        %add3A_767 = arith.constant 1300 : i32
        %add3A_768 = vector.broadcast %add3A_767 : i32 to vector<16xi32>
        %add3A_769 = arith.addi %get3A_662, %add3A_768 : vector<16xi32>
        %gather3A_770 = tpu.vector_load_idx %arg5[%add3A_769] : memref<1600xf32, #tpu.memory_space<vmem>>[vector<16xi32>], vector<16xf32>,
        %swap3A_771 = arith.constant 13 : i32
        %swap3A_772 = arith.index_cast %swap3A_771 : i32 to index
        %swap3A_773 = arith.index_cast %scan3A_640 : i32 to index
        %swap3A_774 = tpu.vector_load %arg7[%swap3A_772, %swap3A_773] {strides = array<i32>} : memref<16x3200xf32, #tpu.memory_space<vmem>>, vector<16xf32>,
        tpu.vector_store %arg7[%swap3A_772, %swap3A_773], %scan3A_654 {strides = array<i32>} : memref<16x3200xf32, #tpu.memory_space<vmem>>, vector<16xf32>,
        %add3A_775 = arith.constant 1400 : i32
        %add3A_776 = vector.broadcast %add3A_775 : i32 to vector<16xi32>
        %add3A_777 = arith.addi %get3A_662, %add3A_776 : vector<16xi32>
        %gather3A_778 = tpu.vector_load_idx %arg5[%add3A_777] : memref<1600xf32, #tpu.memory_space<vmem>>[vector<16xi32>], vector<16xf32>,
        %swap3A_779 = arith.constant 14 : i32
        %swap3A_780 = arith.index_cast %swap3A_779 : i32 to index
        %swap3A_781 = arith.index_cast %scan3A_640 : i32 to index
        %swap3A_782 = tpu.vector_load %arg7[%swap3A_780, %swap3A_781] {strides = array<i32>} : memref<16x3200xf32, #tpu.memory_space<vmem>>, vector<16xf32>,
        tpu.vector_store %arg7[%swap3A_780, %swap3A_781], %scan3A_655 {strides = array<i32>} : memref<16x3200xf32, #tpu.memory_space<vmem>>, vector<16xf32>,
        %add3A_783 = arith.constant 1500 : i32
        %add3A_784 = vector.broadcast %add3A_783 : i32 to vector<16xi32>
        %add3A_785 = arith.addi %get3A_662, %add3A_784 : vector<16xi32>
        %gather3A_786 = tpu.vector_load_idx %arg5[%add3A_785] : memref<1600xf32, #tpu.memory_space<vmem>>[vector<16xi32>], vector<16xf32>,
        %swap3A_787 = arith.constant 15 : i32
        %swap3A_788 = arith.index_cast %swap3A_787 : i32 to index
        %swap3A_789 = arith.index_cast %scan3A_640 : i32 to index
        %swap3A_790 = tpu.vector_load %arg7[%swap3A_788, %swap3A_789] {strides = array<i32>} : memref<16x3200xf32, #tpu.memory_space<vmem>>, vector<16xf32>,
        tpu.vector_store %arg7[%swap3A_788, %swap3A_789], %scan3A_656 {strides = array<i32>} : memref<16x3200xf32, #tpu.memory_space<vmem>>, vector<16xf32>,
        scf.yield %add3A_660, %gather3A_666, %gather3A_674, %gather3A_682, %gather3A_690, %gather3A_698, %gather3A_706, %gather3A_714, %gather3A_722, %gather3A_730, %gather3A_738, %gather3A_746, %gather3A_754, %gather3A_762, %gather3A_770, %gather3A_778, %gather3A_786 : i32, vector<16xf32>, vector<16xf32>, vector<16xf32>, vector<16xf32>, vector<16xf32>, vector<16xf32>, vector<16xf32>, vector<16xf32>, vector<16xf32>, vector<16xf32>, vector<16xf32>, vector<16xf32>, vector<16xf32>, vector<16xf32>, vector<16xf32>, vector<16xf32>
      }
      %scan3A_523 = arith.constant 47 : i32
      %swap3A_524 = arith.constant 0 : i32
      %swap3A_525 = arith.index_cast %swap3A_524 : i32 to index
      %swap3A_526 = arith.index_cast %scan3A_522#0 : i32 to index
      %swap3A_527 = tpu.vector_load %arg7[%swap3A_525, %swap3A_526] {strides = array<i32>} : memref<16x3200xf32, #tpu.memory_space<vmem>>, vector<16xf32>,
      tpu.vector_store %arg7[%swap3A_525, %swap3A_526], %scan3A_522#1 {strides = array<i32>} : memref<16x3200xf32, #tpu.memory_space<vmem>>, vector<16xf32>,
      %swap3A_528 = arith.constant 1 : i32
      %swap3A_529 = arith.index_cast %swap3A_528 : i32 to index
      %swap3A_530 = arith.index_cast %scan3A_522#0 : i32 to index
      %swap3A_531 = tpu.vector_load %arg7[%swap3A_529, %swap3A_530] {strides = array<i32>} : memref<16x3200xf32, #tpu.memory_space<vmem>>, vector<16xf32>,
      tpu.vector_store %arg7[%swap3A_529, %swap3A_530], %scan3A_522#2 {strides = array<i32>} : memref<16x3200xf32, #tpu.memory_space<vmem>>, vector<16xf32>,
      %swap3A_532 = arith.constant 2 : i32
      %swap3A_533 = arith.index_cast %swap3A_532 : i32 to index
      %swap3A_534 = arith.index_cast %scan3A_522#0 : i32 to index
      %swap3A_535 = tpu.vector_load %arg7[%swap3A_533, %swap3A_534] {strides = array<i32>} : memref<16x3200xf32, #tpu.memory_space<vmem>>, vector<16xf32>,
      tpu.vector_store %arg7[%swap3A_533, %swap3A_534], %scan3A_522#3 {strides = array<i32>} : memref<16x3200xf32, #tpu.memory_space<vmem>>, vector<16xf32>,
      %swap3A_536 = arith.constant 3 : i32
      %swap3A_537 = arith.index_cast %swap3A_536 : i32 to index
      %swap3A_538 = arith.index_cast %scan3A_522#0 : i32 to index
      %swap3A_539 = tpu.vector_load %arg7[%swap3A_537, %swap3A_538] {strides = array<i32>} : memref<16x3200xf32, #tpu.memory_space<vmem>>, vector<16xf32>,
      tpu.vector_store %arg7[%swap3A_537, %swap3A_538], %scan3A_522#4 {strides = array<i32>} : memref<16x3200xf32, #tpu.memory_space<vmem>>, vector<16xf32>,
      %swap3A_540 = arith.constant 4 : i32
      %swap3A_541 = arith.index_cast %swap3A_540 : i32 to index
      %swap3A_542 = arith.index_cast %scan3A_522#0 : i32 to index
      %swap3A_543 = tpu.vector_load %arg7[%swap3A_541, %swap3A_542] {strides = array<i32>} : memref<16x3200xf32, #tpu.memory_space<vmem>>, vector<16xf32>,
      tpu.vector_store %arg7[%swap3A_541, %swap3A_542], %scan3A_522#5 {strides = array<i32>} : memref<16x3200xf32, #tpu.memory_space<vmem>>, vector<16xf32>,
      %swap3A_544 = arith.constant 5 : i32
      %swap3A_545 = arith.index_cast %swap3A_544 : i32 to index
      %swap3A_546 = arith.index_cast %scan3A_522#0 : i32 to index
      %swap3A_547 = tpu.vector_load %arg7[%swap3A_545, %swap3A_546] {strides = array<i32>} : memref<16x3200xf32, #tpu.memory_space<vmem>>, vector<16xf32>,
      tpu.vector_store %arg7[%swap3A_545, %swap3A_546], %scan3A_522#6 {strides = array<i32>} : memref<16x3200xf32, #tpu.memory_space<vmem>>, vector<16xf32>,
      %swap3A_548 = arith.constant 6 : i32
      %swap3A_549 = arith.index_cast %swap3A_548 : i32 to index
      %swap3A_550 = arith.index_cast %scan3A_522#0 : i32 to index
      %swap3A_551 = tpu.vector_load %arg7[%swap3A_549, %swap3A_550] {strides = array<i32>} : memref<16x3200xf32, #tpu.memory_space<vmem>>, vector<16xf32>,
      tpu.vector_store %arg7[%swap3A_549, %swap3A_550], %scan3A_522#7 {strides = array<i32>} : memref<16x3200xf32, #tpu.memory_space<vmem>>, vector<16xf32>,
      %swap3A_552 = arith.constant 7 : i32
      %swap3A_553 = arith.index_cast %swap3A_552 : i32 to index
      %swap3A_554 = arith.index_cast %scan3A_522#0 : i32 to index
      %swap3A_555 = tpu.vector_load %arg7[%swap3A_553, %swap3A_554] {strides = array<i32>} : memref<16x3200xf32, #tpu.memory_space<vmem>>, vector<16xf32>,
      tpu.vector_store %arg7[%swap3A_553, %swap3A_554], %scan3A_522#8 {strides = array<i32>} : memref<16x3200xf32, #tpu.memory_space<vmem>>, vector<16xf32>,
      %swap3A_556 = arith.constant 8 : i32
      %swap3A_557 = arith.index_cast %swap3A_556 : i32 to index
      %swap3A_558 = arith.index_cast %scan3A_522#0 : i32 to index
      %swap3A_559 = tpu.vector_load %arg7[%swap3A_557, %swap3A_558] {strides = array<i32>} : memref<16x3200xf32, #tpu.memory_space<vmem>>, vector<16xf32>,
      tpu.vector_store %arg7[%swap3A_557, %swap3A_558], %scan3A_522#9 {strides = array<i32>} : memref<16x3200xf32, #tpu.memory_space<vmem>>, vector<16xf32>,
      %swap3A_560 = arith.constant 9 : i32
      %swap3A_561 = arith.index_cast %swap3A_560 : i32 to index
      %swap3A_562 = arith.index_cast %scan3A_522#0 : i32 to index
      %swap3A_563 = tpu.vector_load %arg7[%swap3A_561, %swap3A_562] {strides = array<i32>} : memref<16x3200xf32, #tpu.memory_space<vmem>>, vector<16xf32>,
      tpu.vector_store %arg7[%swap3A_561, %swap3A_562], %scan3A_522#10 {strides = array<i32>} : memref<16x3200xf32, #tpu.memory_space<vmem>>, vector<16xf32>,
      %swap3A_564 = arith.constant 10 : i32
      %swap3A_565 = arith.index_cast %swap3A_564 : i32 to index
      %swap3A_566 = arith.index_cast %scan3A_522#0 : i32 to index
      %swap3A_567 = tpu.vector_load %arg7[%swap3A_565, %swap3A_566] {strides = array<i32>} : memref<16x3200xf32, #tpu.memory_space<vmem>>, vector<16xf32>,
      tpu.vector_store %arg7[%swap3A_565, %swap3A_566], %scan3A_522#11 {strides = array<i32>} : memref<16x3200xf32, #tpu.memory_space<vmem>>, vector<16xf32>,
      %swap3A_568 = arith.constant 11 : i32
      %swap3A_569 = arith.index_cast %swap3A_568 : i32 to index
      %swap3A_570 = arith.index_cast %scan3A_522#0 : i32 to index
      %swap3A_571 = tpu.vector_load %arg7[%swap3A_569, %swap3A_570] {strides = array<i32>} : memref<16x3200xf32, #tpu.memory_space<vmem>>, vector<16xf32>,
      tpu.vector_store %arg7[%swap3A_569, %swap3A_570], %scan3A_522#12 {strides = array<i32>} : memref<16x3200xf32, #tpu.memory_space<vmem>>, vector<16xf32>,
      %swap3A_572 = arith.constant 12 : i32
      %swap3A_573 = arith.index_cast %swap3A_572 : i32 to index
      %swap3A_574 = arith.index_cast %scan3A_522#0 : i32 to index
      %swap3A_575 = tpu.vector_load %arg7[%swap3A_573, %swap3A_574] {strides = array<i32>} : memref<16x3200xf32, #tpu.memory_space<vmem>>, vector<16xf32>,
      tpu.vector_store %arg7[%swap3A_573, %swap3A_574], %scan3A_522#13 {strides = array<i32>} : memref<16x3200xf32, #tpu.memory_space<vmem>>, vector<16xf32>,
      %swap3A_576 = arith.constant 13 : i32
      %swap3A_577 = arith.index_cast %swap3A_576 : i32 to index
      %swap3A_578 = arith.index_cast %scan3A_522#0 : i32 to index
      %swap3A_579 = tpu.vector_load %arg7[%swap3A_577, %swap3A_578] {strides = array<i32>} : memref<16x3200xf32, #tpu.memory_space<vmem>>, vector<16xf32>,
      tpu.vector_store %arg7[%swap3A_577, %swap3A_578], %scan3A_522#14 {strides = array<i32>} : memref<16x3200xf32, #tpu.memory_space<vmem>>, vector<16xf32>,
      %swap3A_580 = arith.constant 14 : i32
      %swap3A_581 = arith.index_cast %swap3A_580 : i32 to index
      %swap3A_582 = arith.index_cast %scan3A_522#0 : i32 to index
      %swap3A_583 = tpu.vector_load %arg7[%swap3A_581, %swap3A_582] {strides = array<i32>} : memref<16x3200xf32, #tpu.memory_space<vmem>>, vector<16xf32>,
      tpu.vector_store %arg7[%swap3A_581, %swap3A_582], %scan3A_522#15 {strides = array<i32>} : memref<16x3200xf32, #tpu.memory_space<vmem>>, vector<16xf32>,
      %swap3A_584 = arith.constant 15 : i32
      %swap3A_585 = arith.index_cast %swap3A_584 : i32 to index
      %swap3A_586 = arith.index_cast %scan3A_522#0 : i32 to index
      %swap3A_587 = tpu.vector_load %arg7[%swap3A_585, %swap3A_586] {strides = array<i32>} : memref<16x3200xf32, #tpu.memory_space<vmem>>, vector<16xf32>,
      tpu.vector_store %arg7[%swap3A_585, %swap3A_586], %scan3A_522#16 {strides = array<i32>} : memref<16x3200xf32, #tpu.memory_space<vmem>>, vector<16xf32>,
      %add3A_588 = arith.constant 2432 : i32
      %add3A_589 = arith.addi %mul3A_2, %add3A_588 : i32
      %dma_start3A_590 = arith.constant 0 : i32
      %dma_start3A_591 = arith.constant 2432 : i32
      %dma_start3A_592 = tpu.memref_slice %arg7[%dma_start3A_590, %dma_start3A_591] : memref<16x3200xf32, #tpu.memory_space<vmem>> -> memref<16x768xf32, #tpu.memory_space<vmem>>
      %dma_start3A_593 = arith.constant 0 : i32
      %dma_start3A_594 = tpu.memref_slice %arg4[%dma_start3A_593, %add3A_589] : memref<16x100000xf32, #tpu.memory_space<hbm>> -> memref<16x768xf32, #tpu.memory_space<hbm>>
      %dma_start3A_595 = arith.constant 0 : i32
      %dma_start3A_596 = tpu.memref_slice %arg4[%dma_start3A_595, %add3A_589] : memref<16x100000xf32, #tpu.memory_space<hbm>> -> memref<16x768xf32, #tpu.memory_space<hbm>>
      %dma_start3A_597 = arith.constant 0 : i32
      %dma_start3A_598 = arith.constant 2432 : i32
      %dma_start3A_599 = tpu.memref_slice %arg7[%dma_start3A_597, %dma_start3A_598] : memref<16x3200xf32, #tpu.memory_space<vmem>> -> memref<16x768xf32, #tpu.memory_space<vmem>>
      tpu.enqueue_dma source(%dma_start3A_599 : memref<16x768xf32, #tpu.memory_space<vmem>>) target(%dma_start3A_596 : memref<16x768xf32, #tpu.memory_space<hbm>>) target_semaphore(%arg8 : memref<!tpu.dma_semaphore, #tpu.memory_space<semaphore_mem>>)
      %dma_wait3A = arith.constant 0 : i32
      %dma_wait3A_600 = arith.constant 0 : i32
      %dma_wait3A_601 = tpu.memref_slice %arg7[%dma_wait3A, %dma_wait3A_600] : memref<16x3200xf32, #tpu.memory_space<vmem>> -> memref<16x896xf32, #tpu.memory_space<vmem>>
      %dma_wait3A_602 = arith.constant 0 : i32
      %dma_wait3A_603 = tpu.memref_slice %arg4[%dma_wait3A_602, %add3A_143] : memref<16x100000xf32, #tpu.memory_space<hbm>> -> memref<16x896xf32, #tpu.memory_space<hbm>>
      %dma_wait3A_604 = arith.constant 0 : i32
      %dma_wait3A_605 = tpu.memref_slice %arg4[%dma_wait3A_604, %add3A_143] : memref<16x100000xf32, #tpu.memory_space<hbm>> -> memref<16x896xf32, #tpu.memory_space<hbm>>
      %dma_wait3A_606 = arith.constant 0 : i32
      %dma_wait3A_607 = arith.constant 0 : i32
      %dma_wait3A_608 = tpu.memref_slice %arg7[%dma_wait3A_606, %dma_wait3A_607] : memref<16x3200xf32, #tpu.memory_space<vmem>> -> memref<16x896xf32, #tpu.memory_space<vmem>>
      tpu.wait_dma2 semaphore(%arg8 : memref<!tpu.dma_semaphore, #tpu.memory_space<semaphore_mem>>) src(%dma_wait3A_608 : memref<16x896xf32, #tpu.memory_space<vmem>>) dst(%dma_wait3A_605 : memref<16x896xf32, #tpu.memory_space<hbm>>)
      %dma_wait3A_609 = arith.constant 0 : i32
      %dma_wait3A_610 = arith.constant 896 : i32
      %dma_wait3A_611 = tpu.memref_slice %arg7[%dma_wait3A_609, %dma_wait3A_610] : memref<16x3200xf32, #tpu.memory_space<vmem>> -> memref<16x768xf32, #tpu.memory_space<vmem>>
      %dma_wait3A_612 = arith.constant 0 : i32
      %dma_wait3A_613 = tpu.memref_slice %arg4[%dma_wait3A_612, %add3A_291] : memref<16x100000xf32, #tpu.memory_space<hbm>> -> memref<16x768xf32, #tpu.memory_space<hbm>>
      %dma_wait3A_614 = arith.constant 0 : i32
      %dma_wait3A_615 = tpu.memref_slice %arg4[%dma_wait3A_614, %add3A_291] : memref<16x100000xf32, #tpu.memory_space<hbm>> -> memref<16x768xf32, #tpu.memory_space<hbm>>
      %dma_wait3A_616 = arith.constant 0 : i32
      %dma_wait3A_617 = arith.constant 896 : i32
      %dma_wait3A_618 = tpu.memref_slice %arg7[%dma_wait3A_616, %dma_wait3A_617] : memref<16x3200xf32, #tpu.memory_space<vmem>> -> memref<16x768xf32, #tpu.memory_space<vmem>>
      tpu.wait_dma2 semaphore(%arg8 : memref<!tpu.dma_semaphore, #tpu.memory_space<semaphore_mem>>) src(%dma_wait3A_618 : memref<16x768xf32, #tpu.memory_space<vmem>>) dst(%dma_wait3A_615 : memref<16x768xf32, #tpu.memory_space<hbm>>)
      %dma_wait3A_619 = arith.constant 0 : i32
      %dma_wait3A_620 = arith.constant 1664 : i32
      %dma_wait3A_621 = tpu.memref_slice %arg7[%dma_wait3A_619, %dma_wait3A_620] : memref<16x3200xf32, #tpu.memory_space<vmem>> -> memref<16x768xf32, #tpu.memory_space<vmem>>
      %dma_wait3A_622 = arith.constant 0 : i32
      %dma_wait3A_623 = tpu.memref_slice %arg4[%dma_wait3A_622, %add3A_440] : memref<16x100000xf32, #tpu.memory_space<hbm>> -> memref<16x768xf32, #tpu.memory_space<hbm>>
      %dma_wait3A_624 = arith.constant 0 : i32
      %dma_wait3A_625 = tpu.memref_slice %arg4[%dma_wait3A_624, %add3A_440] : memref<16x100000xf32, #tpu.memory_space<hbm>> -> memref<16x768xf32, #tpu.memory_space<hbm>>
      %dma_wait3A_626 = arith.constant 0 : i32
      %dma_wait3A_627 = arith.constant 1664 : i32
      %dma_wait3A_628 = tpu.memref_slice %arg7[%dma_wait3A_626, %dma_wait3A_627] : memref<16x3200xf32, #tpu.memory_space<vmem>> -> memref<16x768xf32, #tpu.memory_space<vmem>>
      tpu.wait_dma2 semaphore(%arg8 : memref<!tpu.dma_semaphore, #tpu.memory_space<semaphore_mem>>) src(%dma_wait3A_628 : memref<16x768xf32, #tpu.memory_space<vmem>>) dst(%dma_wait3A_625 : memref<16x768xf32, #tpu.memory_space<hbm>>)
      %dma_wait3A_629 = arith.constant 0 : i32
      %dma_wait3A_630 = arith.constant 2432 : i32
      %dma_wait3A_631 = tpu.memref_slice %arg7[%dma_wait3A_629, %dma_wait3A_630] : memref<16x3200xf32, #tpu.memory_space<vmem>> -> memref<16x768xf32, #tpu.memory_space<vmem>>
      %dma_wait3A_632 = arith.constant 0 : i32
      %dma_wait3A_633 = tpu.memref_slice %arg4[%dma_wait3A_632, %add3A_589] : memref<16x100000xf32, #tpu.memory_space<hbm>> -> memref<16x768xf32, #tpu.memory_space<hbm>>
      %dma_wait3A_634 = arith.constant 0 : i32
      %dma_wait3A_635 = tpu.memref_slice %arg4[%dma_wait3A_634, %add3A_589] : memref<16x100000xf32, #tpu.memory_space<hbm>> -> memref<16x768xf32, #tpu.memory_space<hbm>>
      %dma_wait3A_636 = arith.constant 0 : i32
      %dma_wait3A_637 = arith.constant 2432 : i32
      %dma_wait3A_638 = tpu.memref_slice %arg7[%dma_wait3A_636, %dma_wait3A_637] : memref<16x3200xf32, #tpu.memory_space<vmem>> -> memref<16x768xf32, #tpu.memory_space<vmem>>
      tpu.wait_dma2 semaphore(%arg8 : memref<!tpu.dma_semaphore, #tpu.memory_space<semaphore_mem>>) src(%dma_wait3A_638 : memref<16x768xf32, #tpu.memory_space<vmem>>) dst(%dma_wait3A_635 : memref<16x768xf32, #tpu.memory_space<hbm>>)
    } else {
    }
    %eq3A = arith.constant 31 : i32
    %eq3A_5 = arith.cmpi eq, %add3A, %eq3A : i32
    %convert_element_type3A_6 = arith.extui %eq3A_5 : i1 to i32
    %cond3A_7 = arith.constant 0 : i32
    %cond3A_8 = arith.cmpi ne, %convert_element_type3A_6, %cond3A_7 : i32
    scf.if %cond3A_8 {
      "tpu.region"() ({
        %run_scoped3A = tpu.sem_alloc : memref<!tpu.dma_semaphore, #tpu.memory_space<semaphore_mem>>
        %dma_start3A_162 = arith.constant 0 : i32
        %dma_start3A_163 = tpu.memref_slice %arg6[%dma_start3A_162] : memref<3200xi32, #tpu.memory_space<vmem>> -> memref<800xi32, #tpu.memory_space<vmem>>
        %dma_start3A_164 = tpu.memref_slice %arg3[%mul3A_2] : memref<100000xi32, #tpu.memory_space<hbm>> -> memref<800xi32, #tpu.memory_space<hbm>>
        %dma_start3A_165 = arith.constant 0 : i32
        %dma_start3A_166 = tpu.memref_slice %arg6[%dma_start3A_165] : memref<3200xi32, #tpu.memory_space<vmem>> -> memref<800xi32, #tpu.memory_space<vmem>>
        %dma_start3A_167 = tpu.memref_slice %arg3[%mul3A_2] : memref<100000xi32, #tpu.memory_space<hbm>> -> memref<800xi32, #tpu.memory_space<hbm>>
        tpu.enqueue_dma source(%dma_start3A_167 : memref<800xi32, #tpu.memory_space<hbm>>) target(%dma_start3A_166 : memref<800xi32, #tpu.memory_space<vmem>>) target_semaphore(%run_scoped3A : memref<!tpu.dma_semaphore, #tpu.memory_space<semaphore_mem>>)
        %dma_wait3A_168 = arith.constant 0 : i32
        %dma_wait3A_169 = tpu.memref_slice %arg6[%dma_wait3A_168] : memref<3200xi32, #tpu.memory_space<vmem>> -> memref<800xi32, #tpu.memory_space<vmem>>
        %dma_wait3A_170 = tpu.memref_slice %arg3[%mul3A_2] : memref<100000xi32, #tpu.memory_space<hbm>> -> memref<800xi32, #tpu.memory_space<hbm>>
        %dma_wait3A_171 = arith.constant 0 : i32
        %dma_wait3A_172 = tpu.memref_slice %arg6[%dma_wait3A_171] : memref<3200xi32, #tpu.memory_space<vmem>> -> memref<800xi32, #tpu.memory_space<vmem>>
        %dma_wait3A_173 = tpu.memref_slice %arg3[%mul3A_2] : memref<100000xi32, #tpu.memory_space<hbm>> -> memref<800xi32, #tpu.memory_space<hbm>>
        tpu.wait_dma2 semaphore(%run_scoped3A : memref<!tpu.dma_semaphore, #tpu.memory_space<semaphore_mem>>) src(%dma_wait3A_173 : memref<800xi32, #tpu.memory_space<hbm>>) dst(%dma_wait3A_172 : memref<800xi32, #tpu.memory_space<vmem>>)
        tpu.yield
      }) : () -> ()
      %get3A = arith.constant 0 : index
      %get3A_9 = tpu.vector_load %arg6[%get3A] {strides = array<i32>} : memref<3200xi32, #tpu.memory_space<vmem>>, vector<16xi32>,
      %add3A_10 = arith.constant 0 : i32
      %add3A_11 = vector.broadcast %add3A_10 : i32 to vector<16xi32>
      %add3A_12 = arith.addi %get3A_9, %add3A_11 : vector<16xi32>
      %gather3A = tpu.vector_load_idx %arg5[%add3A_12] : memref<1600xf32, #tpu.memory_space<vmem>>[vector<16xi32>], vector<16xf32>,
      %add3A_13 = arith.constant 100 : i32
      %add3A_14 = vector.broadcast %add3A_13 : i32 to vector<16xi32>
      %add3A_15 = arith.addi %get3A_9, %add3A_14 : vector<16xi32>
      %gather3A_16 = tpu.vector_load_idx %arg5[%add3A_15] : memref<1600xf32, #tpu.memory_space<vmem>>[vector<16xi32>], vector<16xf32>,
      %add3A_17 = arith.constant 200 : i32
      %add3A_18 = vector.broadcast %add3A_17 : i32 to vector<16xi32>
      %add3A_19 = arith.addi %get3A_9, %add3A_18 : vector<16xi32>
      %gather3A_20 = tpu.vector_load_idx %arg5[%add3A_19] : memref<1600xf32, #tpu.memory_space<vmem>>[vector<16xi32>], vector<16xf32>,
      %add3A_21 = arith.constant 300 : i32
      %add3A_22 = vector.broadcast %add3A_21 : i32 to vector<16xi32>
      %add3A_23 = arith.addi %get3A_9, %add3A_22 : vector<16xi32>
      %gather3A_24 = tpu.vector_load_idx %arg5[%add3A_23] : memref<1600xf32, #tpu.memory_space<vmem>>[vector<16xi32>], vector<16xf32>,
      %add3A_25 = arith.constant 400 : i32
      %add3A_26 = vector.broadcast %add3A_25 : i32 to vector<16xi32>
      %add3A_27 = arith.addi %get3A_9, %add3A_26 : vector<16xi32>
      %gather3A_28 = tpu.vector_load_idx %arg5[%add3A_27] : memref<1600xf32, #tpu.memory_space<vmem>>[vector<16xi32>], vector<16xf32>,
      %add3A_29 = arith.constant 500 : i32
      %add3A_30 = vector.broadcast %add3A_29 : i32 to vector<16xi32>
      %add3A_31 = arith.addi %get3A_9, %add3A_30 : vector<16xi32>
      %gather3A_32 = tpu.vector_load_idx %arg5[%add3A_31] : memref<1600xf32, #tpu.memory_space<vmem>>[vector<16xi32>], vector<16xf32>,
      %add3A_33 = arith.constant 600 : i32
      %add3A_34 = vector.broadcast %add3A_33 : i32 to vector<16xi32>
      %add3A_35 = arith.addi %get3A_9, %add3A_34 : vector<16xi32>
      %gather3A_36 = tpu.vector_load_idx %arg5[%add3A_35] : memref<1600xf32, #tpu.memory_space<vmem>>[vector<16xi32>], vector<16xf32>,
      %add3A_37 = arith.constant 700 : i32
      %add3A_38 = vector.broadcast %add3A_37 : i32 to vector<16xi32>
      %add3A_39 = arith.addi %get3A_9, %add3A_38 : vector<16xi32>
      %gather3A_40 = tpu.vector_load_idx %arg5[%add3A_39] : memref<1600xf32, #tpu.memory_space<vmem>>[vector<16xi32>], vector<16xf32>,
      %add3A_41 = arith.constant 800 : i32
      %add3A_42 = vector.broadcast %add3A_41 : i32 to vector<16xi32>
      %add3A_43 = arith.addi %get3A_9, %add3A_42 : vector<16xi32>
      %gather3A_44 = tpu.vector_load_idx %arg5[%add3A_43] : memref<1600xf32, #tpu.memory_space<vmem>>[vector<16xi32>], vector<16xf32>,
      %add3A_45 = arith.constant 900 : i32
      %add3A_46 = vector.broadcast %add3A_45 : i32 to vector<16xi32>
      %add3A_47 = arith.addi %get3A_9, %add3A_46 : vector<16xi32>
      %gather3A_48 = tpu.vector_load_idx %arg5[%add3A_47] : memref<1600xf32, #tpu.memory_space<vmem>>[vector<16xi32>], vector<16xf32>,
      %add3A_49 = arith.constant 1000 : i32
      %add3A_50 = vector.broadcast %add3A_49 : i32 to vector<16xi32>
      %add3A_51 = arith.addi %get3A_9, %add3A_50 : vector<16xi32>
      %gather3A_52 = tpu.vector_load_idx %arg5[%add3A_51] : memref<1600xf32, #tpu.memory_space<vmem>>[vector<16xi32>], vector<16xf32>,
      %add3A_53 = arith.constant 1100 : i32
      %add3A_54 = vector.broadcast %add3A_53 : i32 to vector<16xi32>
      %add3A_55 = arith.addi %get3A_9, %add3A_54 : vector<16xi32>
      %gather3A_56 = tpu.vector_load_idx %arg5[%add3A_55] : memref<1600xf32, #tpu.memory_space<vmem>>[vector<16xi32>], vector<16xf32>,
      %add3A_57 = arith.constant 1200 : i32
      %add3A_58 = vector.broadcast %add3A_57 : i32 to vector<16xi32>
      %add3A_59 = arith.addi %get3A_9, %add3A_58 : vector<16xi32>
      %gather3A_60 = tpu.vector_load_idx %arg5[%add3A_59] : memref<1600xf32, #tpu.memory_space<vmem>>[vector<16xi32>], vector<16xf32>,
      %add3A_61 = arith.constant 1300 : i32
      %add3A_62 = vector.broadcast %add3A_61 : i32 to vector<16xi32>
      %add3A_63 = arith.addi %get3A_9, %add3A_62 : vector<16xi32>
      %gather3A_64 = tpu.vector_load_idx %arg5[%add3A_63] : memref<1600xf32, #tpu.memory_space<vmem>>[vector<16xi32>], vector<16xf32>,
      %add3A_65 = arith.constant 1400 : i32
      %add3A_66 = vector.broadcast %add3A_65 : i32 to vector<16xi32>
      %add3A_67 = arith.addi %get3A_9, %add3A_66 : vector<16xi32>
      %gather3A_68 = tpu.vector_load_idx %arg5[%add3A_67] : memref<1600xf32, #tpu.memory_space<vmem>>[vector<16xi32>], vector<16xf32>,
      %add3A_69 = arith.constant 1500 : i32
      %add3A_70 = vector.broadcast %add3A_69 : i32 to vector<16xi32>
      %add3A_71 = arith.addi %get3A_9, %add3A_70 : vector<16xi32>
      %gather3A_72 = tpu.vector_load_idx %arg5[%add3A_71] : memref<1600xf32, #tpu.memory_space<vmem>>[vector<16xi32>], vector<16xf32>,
      %scan3A = arith.constant 0 : i32
      %scan3A_73 = arith.constant 1 : i32
      %scan3A_74 = arith.constant 49 : i32
      %scan3A_75 = arith.addi %scan3A_73, %scan3A_74 : i32
      %scan3A_76 = arith.constant 1 : i32
      %scan3A_77:17 = scf.for %scan3A_162 = %scan3A_73 to %scan3A_75 step %scan3A_76 iter_args(%scan3A_163 = %scan3A, %scan3A_164 = %gather3A, %scan3A_165 = %gather3A_16, %scan3A_166 = %gather3A_20, %scan3A_167 = %gather3A_24, %scan3A_168 = %gather3A_28, %scan3A_169 = %gather3A_32, %scan3A_170 = %gather3A_36, %scan3A_171 = %gather3A_40, %scan3A_172 = %gather3A_44, %scan3A_173 = %gather3A_48, %scan3A_174 = %gather3A_52, %scan3A_175 = %gather3A_56, %scan3A_176 = %gather3A_60, %scan3A_177 = %gather3A_64, %scan3A_178 = %gather3A_68, %scan3A_179 = %gather3A_72) -> (i32, vector<16xf32>, vector<16xf32>, vector<16xf32>, vector<16xf32>, vector<16xf32>, vector<16xf32>, vector<16xf32>, vector<16xf32>, vector<16xf32>, vector<16xf32>, vector<16xf32>, vector<16xf32>, vector<16xf32>, vector<16xf32>, vector<16xf32>, vector<16xf32>)  : i32 {
        %mul3A_180 = arith.constant 16 : i32
        %mul3A_181 = arith.muli %scan3A_162, %mul3A_180 : i32
        %add3A_182 = arith.constant 0 : i32
        %add3A_183 = arith.addi %add3A_182, %mul3A_181 : i32
        %get3A_184 = arith.index_cast %add3A_183 : i32 to index
        %get3A_185 = tpu.vector_load %arg6[%get3A_184] {strides = array<i32>} : memref<3200xi32, #tpu.memory_space<vmem>>, vector<16xi32>,
        %add3A_186 = arith.constant 0 : i32
        %add3A_187 = vector.broadcast %add3A_186 : i32 to vector<16xi32>
        %add3A_188 = arith.addi %get3A_185, %add3A_187 : vector<16xi32>
        %gather3A_189 = tpu.vector_load_idx %arg5[%add3A_188] : memref<1600xf32, #tpu.memory_space<vmem>>[vector<16xi32>], vector<16xf32>,
        %swap3A_190 = arith.constant 0 : i32
        %swap3A_191 = arith.index_cast %swap3A_190 : i32 to index
        %swap3A_192 = arith.index_cast %scan3A_163 : i32 to index
        %swap3A_193 = tpu.vector_load %arg7[%swap3A_191, %swap3A_192] {strides = array<i32>} : memref<16x3200xf32, #tpu.memory_space<vmem>>, vector<16xf32>,
        tpu.vector_store %arg7[%swap3A_191, %swap3A_192], %scan3A_164 {strides = array<i32>} : memref<16x3200xf32, #tpu.memory_space<vmem>>, vector<16xf32>,
        %add3A_194 = arith.constant 100 : i32
        %add3A_195 = vector.broadcast %add3A_194 : i32 to vector<16xi32>
        %add3A_196 = arith.addi %get3A_185, %add3A_195 : vector<16xi32>
        %gather3A_197 = tpu.vector_load_idx %arg5[%add3A_196] : memref<1600xf32, #tpu.memory_space<vmem>>[vector<16xi32>], vector<16xf32>,
        %swap3A_198 = arith.constant 1 : i32
        %swap3A_199 = arith.index_cast %swap3A_198 : i32 to index
        %swap3A_200 = arith.index_cast %scan3A_163 : i32 to index
        %swap3A_201 = tpu.vector_load %arg7[%swap3A_199, %swap3A_200] {strides = array<i32>} : memref<16x3200xf32, #tpu.memory_space<vmem>>, vector<16xf32>,
        tpu.vector_store %arg7[%swap3A_199, %swap3A_200], %scan3A_165 {strides = array<i32>} : memref<16x3200xf32, #tpu.memory_space<vmem>>, vector<16xf32>,
        %add3A_202 = arith.constant 200 : i32
        %add3A_203 = vector.broadcast %add3A_202 : i32 to vector<16xi32>
        %add3A_204 = arith.addi %get3A_185, %add3A_203 : vector<16xi32>
        %gather3A_205 = tpu.vector_load_idx %arg5[%add3A_204] : memref<1600xf32, #tpu.memory_space<vmem>>[vector<16xi32>], vector<16xf32>,
        %swap3A_206 = arith.constant 2 : i32
        %swap3A_207 = arith.index_cast %swap3A_206 : i32 to index
        %swap3A_208 = arith.index_cast %scan3A_163 : i32 to index
        %swap3A_209 = tpu.vector_load %arg7[%swap3A_207, %swap3A_208] {strides = array<i32>} : memref<16x3200xf32, #tpu.memory_space<vmem>>, vector<16xf32>,
        tpu.vector_store %arg7[%swap3A_207, %swap3A_208], %scan3A_166 {strides = array<i32>} : memref<16x3200xf32, #tpu.memory_space<vmem>>, vector<16xf32>,
        %add3A_210 = arith.constant 300 : i32
        %add3A_211 = vector.broadcast %add3A_210 : i32 to vector<16xi32>
        %add3A_212 = arith.addi %get3A_185, %add3A_211 : vector<16xi32>
        %gather3A_213 = tpu.vector_load_idx %arg5[%add3A_212] : memref<1600xf32, #tpu.memory_space<vmem>>[vector<16xi32>], vector<16xf32>,
        %swap3A_214 = arith.constant 3 : i32
        %swap3A_215 = arith.index_cast %swap3A_214 : i32 to index
        %swap3A_216 = arith.index_cast %scan3A_163 : i32 to index
        %swap3A_217 = tpu.vector_load %arg7[%swap3A_215, %swap3A_216] {strides = array<i32>} : memref<16x3200xf32, #tpu.memory_space<vmem>>, vector<16xf32>,
        tpu.vector_store %arg7[%swap3A_215, %swap3A_216], %scan3A_167 {strides = array<i32>} : memref<16x3200xf32, #tpu.memory_space<vmem>>, vector<16xf32>,
        %add3A_218 = arith.constant 400 : i32
        %add3A_219 = vector.broadcast %add3A_218 : i32 to vector<16xi32>
        %add3A_220 = arith.addi %get3A_185, %add3A_219 : vector<16xi32>
        %gather3A_221 = tpu.vector_load_idx %arg5[%add3A_220] : memref<1600xf32, #tpu.memory_space<vmem>>[vector<16xi32>], vector<16xf32>,
        %swap3A_222 = arith.constant 4 : i32
        %swap3A_223 = arith.index_cast %swap3A_222 : i32 to index
        %swap3A_224 = arith.index_cast %scan3A_163 : i32 to index
        %swap3A_225 = tpu.vector_load %arg7[%swap3A_223, %swap3A_224] {strides = array<i32>} : memref<16x3200xf32, #tpu.memory_space<vmem>>, vector<16xf32>,
        tpu.vector_store %arg7[%swap3A_223, %swap3A_224], %scan3A_168 {strides = array<i32>} : memref<16x3200xf32, #tpu.memory_space<vmem>>, vector<16xf32>,
        %add3A_226 = arith.constant 500 : i32
        %add3A_227 = vector.broadcast %add3A_226 : i32 to vector<16xi32>
        %add3A_228 = arith.addi %get3A_185, %add3A_227 : vector<16xi32>
        %gather3A_229 = tpu.vector_load_idx %arg5[%add3A_228] : memref<1600xf32, #tpu.memory_space<vmem>>[vector<16xi32>], vector<16xf32>,
        %swap3A_230 = arith.constant 5 : i32
        %swap3A_231 = arith.index_cast %swap3A_230 : i32 to index
        %swap3A_232 = arith.index_cast %scan3A_163 : i32 to index
        %swap3A_233 = tpu.vector_load %arg7[%swap3A_231, %swap3A_232] {strides = array<i32>} : memref<16x3200xf32, #tpu.memory_space<vmem>>, vector<16xf32>,
        tpu.vector_store %arg7[%swap3A_231, %swap3A_232], %scan3A_169 {strides = array<i32>} : memref<16x3200xf32, #tpu.memory_space<vmem>>, vector<16xf32>,
        %add3A_234 = arith.constant 600 : i32
        %add3A_235 = vector.broadcast %add3A_234 : i32 to vector<16xi32>
        %add3A_236 = arith.addi %get3A_185, %add3A_235 : vector<16xi32>
        %gather3A_237 = tpu.vector_load_idx %arg5[%add3A_236] : memref<1600xf32, #tpu.memory_space<vmem>>[vector<16xi32>], vector<16xf32>,
        %swap3A_238 = arith.constant 6 : i32
        %swap3A_239 = arith.index_cast %swap3A_238 : i32 to index
        %swap3A_240 = arith.index_cast %scan3A_163 : i32 to index
        %swap3A_241 = tpu.vector_load %arg7[%swap3A_239, %swap3A_240] {strides = array<i32>} : memref<16x3200xf32, #tpu.memory_space<vmem>>, vector<16xf32>,
        tpu.vector_store %arg7[%swap3A_239, %swap3A_240], %scan3A_170 {strides = array<i32>} : memref<16x3200xf32, #tpu.memory_space<vmem>>, vector<16xf32>,
        %add3A_242 = arith.constant 700 : i32
        %add3A_243 = vector.broadcast %add3A_242 : i32 to vector<16xi32>
        %add3A_244 = arith.addi %get3A_185, %add3A_243 : vector<16xi32>
        %gather3A_245 = tpu.vector_load_idx %arg5[%add3A_244] : memref<1600xf32, #tpu.memory_space<vmem>>[vector<16xi32>], vector<16xf32>,
        %swap3A_246 = arith.constant 7 : i32
        %swap3A_247 = arith.index_cast %swap3A_246 : i32 to index
        %swap3A_248 = arith.index_cast %scan3A_163 : i32 to index
        %swap3A_249 = tpu.vector_load %arg7[%swap3A_247, %swap3A_248] {strides = array<i32>} : memref<16x3200xf32, #tpu.memory_space<vmem>>, vector<16xf32>,
        tpu.vector_store %arg7[%swap3A_247, %swap3A_248], %scan3A_171 {strides = array<i32>} : memref<16x3200xf32, #tpu.memory_space<vmem>>, vector<16xf32>,
        %add3A_250 = arith.constant 800 : i32
        %add3A_251 = vector.broadcast %add3A_250 : i32 to vector<16xi32>
        %add3A_252 = arith.addi %get3A_185, %add3A_251 : vector<16xi32>
        %gather3A_253 = tpu.vector_load_idx %arg5[%add3A_252] : memref<1600xf32, #tpu.memory_space<vmem>>[vector<16xi32>], vector<16xf32>,
        %swap3A_254 = arith.constant 8 : i32
        %swap3A_255 = arith.index_cast %swap3A_254 : i32 to index
        %swap3A_256 = arith.index_cast %scan3A_163 : i32 to index
        %swap3A_257 = tpu.vector_load %arg7[%swap3A_255, %swap3A_256] {strides = array<i32>} : memref<16x3200xf32, #tpu.memory_space<vmem>>, vector<16xf32>,
        tpu.vector_store %arg7[%swap3A_255, %swap3A_256], %scan3A_172 {strides = array<i32>} : memref<16x3200xf32, #tpu.memory_space<vmem>>, vector<16xf32>,
        %add3A_258 = arith.constant 900 : i32
        %add3A_259 = vector.broadcast %add3A_258 : i32 to vector<16xi32>
        %add3A_260 = arith.addi %get3A_185, %add3A_259 : vector<16xi32>
        %gather3A_261 = tpu.vector_load_idx %arg5[%add3A_260] : memref<1600xf32, #tpu.memory_space<vmem>>[vector<16xi32>], vector<16xf32>,
        %swap3A_262 = arith.constant 9 : i32
        %swap3A_263 = arith.index_cast %swap3A_262 : i32 to index
        %swap3A_264 = arith.index_cast %scan3A_163 : i32 to index
        %swap3A_265 = tpu.vector_load %arg7[%swap3A_263, %swap3A_264] {strides = array<i32>} : memref<16x3200xf32, #tpu.memory_space<vmem>>, vector<16xf32>,
        tpu.vector_store %arg7[%swap3A_263, %swap3A_264], %scan3A_173 {strides = array<i32>} : memref<16x3200xf32, #tpu.memory_space<vmem>>, vector<16xf32>,
        %add3A_266 = arith.constant 1000 : i32
        %add3A_267 = vector.broadcast %add3A_266 : i32 to vector<16xi32>
        %add3A_268 = arith.addi %get3A_185, %add3A_267 : vector<16xi32>
        %gather3A_269 = tpu.vector_load_idx %arg5[%add3A_268] : memref<1600xf32, #tpu.memory_space<vmem>>[vector<16xi32>], vector<16xf32>,
        %swap3A_270 = arith.constant 10 : i32
        %swap3A_271 = arith.index_cast %swap3A_270 : i32 to index
        %swap3A_272 = arith.index_cast %scan3A_163 : i32 to index
        %swap3A_273 = tpu.vector_load %arg7[%swap3A_271, %swap3A_272] {strides = array<i32>} : memref<16x3200xf32, #tpu.memory_space<vmem>>, vector<16xf32>,
        tpu.vector_store %arg7[%swap3A_271, %swap3A_272], %scan3A_174 {strides = array<i32>} : memref<16x3200xf32, #tpu.memory_space<vmem>>, vector<16xf32>,
        %add3A_274 = arith.constant 1100 : i32
        %add3A_275 = vector.broadcast %add3A_274 : i32 to vector<16xi32>
        %add3A_276 = arith.addi %get3A_185, %add3A_275 : vector<16xi32>
        %gather3A_277 = tpu.vector_load_idx %arg5[%add3A_276] : memref<1600xf32, #tpu.memory_space<vmem>>[vector<16xi32>], vector<16xf32>,
        %swap3A_278 = arith.constant 11 : i32
        %swap3A_279 = arith.index_cast %swap3A_278 : i32 to index
        %swap3A_280 = arith.index_cast %scan3A_163 : i32 to index
        %swap3A_281 = tpu.vector_load %arg7[%swap3A_279, %swap3A_280] {strides = array<i32>} : memref<16x3200xf32, #tpu.memory_space<vmem>>, vector<16xf32>,
        tpu.vector_store %arg7[%swap3A_279, %swap3A_280], %scan3A_175 {strides = array<i32>} : memref<16x3200xf32, #tpu.memory_space<vmem>>, vector<16xf32>,
        %add3A_282 = arith.constant 1200 : i32
        %add3A_283 = vector.broadcast %add3A_282 : i32 to vector<16xi32>
        %add3A_284 = arith.addi %get3A_185, %add3A_283 : vector<16xi32>
        %gather3A_285 = tpu.vector_load_idx %arg5[%add3A_284] : memref<1600xf32, #tpu.memory_space<vmem>>[vector<16xi32>], vector<16xf32>,
        %swap3A_286 = arith.constant 12 : i32
        %swap3A_287 = arith.index_cast %swap3A_286 : i32 to index
        %swap3A_288 = arith.index_cast %scan3A_163 : i32 to index
        %swap3A_289 = tpu.vector_load %arg7[%swap3A_287, %swap3A_288] {strides = array<i32>} : memref<16x3200xf32, #tpu.memory_space<vmem>>, vector<16xf32>,
        tpu.vector_store %arg7[%swap3A_287, %swap3A_288], %scan3A_176 {strides = array<i32>} : memref<16x3200xf32, #tpu.memory_space<vmem>>, vector<16xf32>,
        %add3A_290 = arith.constant 1300 : i32
        %add3A_291 = vector.broadcast %add3A_290 : i32 to vector<16xi32>
        %add3A_292 = arith.addi %get3A_185, %add3A_291 : vector<16xi32>
        %gather3A_293 = tpu.vector_load_idx %arg5[%add3A_292] : memref<1600xf32, #tpu.memory_space<vmem>>[vector<16xi32>], vector<16xf32>,
        %swap3A_294 = arith.constant 13 : i32
        %swap3A_295 = arith.index_cast %swap3A_294 : i32 to index
        %swap3A_296 = arith.index_cast %scan3A_163 : i32 to index
        %swap3A_297 = tpu.vector_load %arg7[%swap3A_295, %swap3A_296] {strides = array<i32>} : memref<16x3200xf32, #tpu.memory_space<vmem>>, vector<16xf32>,
        tpu.vector_store %arg7[%swap3A_295, %swap3A_296], %scan3A_177 {strides = array<i32>} : memref<16x3200xf32, #tpu.memory_space<vmem>>, vector<16xf32>,
        %add3A_298 = arith.constant 1400 : i32
        %add3A_299 = vector.broadcast %add3A_298 : i32 to vector<16xi32>
        %add3A_300 = arith.addi %get3A_185, %add3A_299 : vector<16xi32>
        %gather3A_301 = tpu.vector_load_idx %arg5[%add3A_300] : memref<1600xf32, #tpu.memory_space<vmem>>[vector<16xi32>], vector<16xf32>,
        %swap3A_302 = arith.constant 14 : i32
        %swap3A_303 = arith.index_cast %swap3A_302 : i32 to index
        %swap3A_304 = arith.index_cast %scan3A_163 : i32 to index
        %swap3A_305 = tpu.vector_load %arg7[%swap3A_303, %swap3A_304] {strides = array<i32>} : memref<16x3200xf32, #tpu.memory_space<vmem>>, vector<16xf32>,
        tpu.vector_store %arg7[%swap3A_303, %swap3A_304], %scan3A_178 {strides = array<i32>} : memref<16x3200xf32, #tpu.memory_space<vmem>>, vector<16xf32>,
        %add3A_306 = arith.constant 1500 : i32
        %add3A_307 = vector.broadcast %add3A_306 : i32 to vector<16xi32>
        %add3A_308 = arith.addi %get3A_185, %add3A_307 : vector<16xi32>
        %gather3A_309 = tpu.vector_load_idx %arg5[%add3A_308] : memref<1600xf32, #tpu.memory_space<vmem>>[vector<16xi32>], vector<16xf32>,
        %swap3A_310 = arith.constant 15 : i32
        %swap3A_311 = arith.index_cast %swap3A_310 : i32 to index
        %swap3A_312 = arith.index_cast %scan3A_163 : i32 to index
        %swap3A_313 = tpu.vector_load %arg7[%swap3A_311, %swap3A_312] {strides = array<i32>} : memref<16x3200xf32, #tpu.memory_space<vmem>>, vector<16xf32>,
        tpu.vector_store %arg7[%swap3A_311, %swap3A_312], %scan3A_179 {strides = array<i32>} : memref<16x3200xf32, #tpu.memory_space<vmem>>, vector<16xf32>,
        scf.yield %add3A_183, %gather3A_189, %gather3A_197, %gather3A_205, %gather3A_213, %gather3A_221, %gather3A_229, %gather3A_237, %gather3A_245, %gather3A_253, %gather3A_261, %gather3A_269, %gather3A_277, %gather3A_285, %gather3A_293, %gather3A_301, %gather3A_309 : i32, vector<16xf32>, vector<16xf32>, vector<16xf32>, vector<16xf32>, vector<16xf32>, vector<16xf32>, vector<16xf32>, vector<16xf32>, vector<16xf32>, vector<16xf32>, vector<16xf32>, vector<16xf32>, vector<16xf32>, vector<16xf32>, vector<16xf32>, vector<16xf32>
      }
      %scan3A_78 = arith.constant 49 : i32
      %swap3A = arith.constant 0 : i32
      %swap3A_79 = arith.index_cast %swap3A : i32 to index
      %swap3A_80 = arith.index_cast %scan3A_77#0 : i32 to index
      %swap3A_81 = tpu.vector_load %arg7[%swap3A_79, %swap3A_80] {strides = array<i32>} : memref<16x3200xf32, #tpu.memory_space<vmem>>, vector<16xf32>,
      tpu.vector_store %arg7[%swap3A_79, %swap3A_80], %scan3A_77#1 {strides = array<i32>} : memref<16x3200xf32, #tpu.memory_space<vmem>>, vector<16xf32>,
      %swap3A_82 = arith.constant 1 : i32
      %swap3A_83 = arith.index_cast %swap3A_82 : i32 to index
      %swap3A_84 = arith.index_cast %scan3A_77#0 : i32 to index
      %swap3A_85 = tpu.vector_load %arg7[%swap3A_83, %swap3A_84] {strides = array<i32>} : memref<16x3200xf32, #tpu.memory_space<vmem>>, vector<16xf32>,
      tpu.vector_store %arg7[%swap3A_83, %swap3A_84], %scan3A_77#2 {strides = array<i32>} : memref<16x3200xf32, #tpu.memory_space<vmem>>, vector<16xf32>,
      %swap3A_86 = arith.constant 2 : i32
      %swap3A_87 = arith.index_cast %swap3A_86 : i32 to index
      %swap3A_88 = arith.index_cast %scan3A_77#0 : i32 to index
      %swap3A_89 = tpu.vector_load %arg7[%swap3A_87, %swap3A_88] {strides = array<i32>} : memref<16x3200xf32, #tpu.memory_space<vmem>>, vector<16xf32>,
      tpu.vector_store %arg7[%swap3A_87, %swap3A_88], %scan3A_77#3 {strides = array<i32>} : memref<16x3200xf32, #tpu.memory_space<vmem>>, vector<16xf32>,
      %swap3A_90 = arith.constant 3 : i32
      %swap3A_91 = arith.index_cast %swap3A_90 : i32 to index
      %swap3A_92 = arith.index_cast %scan3A_77#0 : i32 to index
      %swap3A_93 = tpu.vector_load %arg7[%swap3A_91, %swap3A_92] {strides = array<i32>} : memref<16x3200xf32, #tpu.memory_space<vmem>>, vector<16xf32>,
      tpu.vector_store %arg7[%swap3A_91, %swap3A_92], %scan3A_77#4 {strides = array<i32>} : memref<16x3200xf32, #tpu.memory_space<vmem>>, vector<16xf32>,
      %swap3A_94 = arith.constant 4 : i32
      %swap3A_95 = arith.index_cast %swap3A_94 : i32 to index
      %swap3A_96 = arith.index_cast %scan3A_77#0 : i32 to index
      %swap3A_97 = tpu.vector_load %arg7[%swap3A_95, %swap3A_96] {strides = array<i32>} : memref<16x3200xf32, #tpu.memory_space<vmem>>, vector<16xf32>,
      tpu.vector_store %arg7[%swap3A_95, %swap3A_96], %scan3A_77#5 {strides = array<i32>} : memref<16x3200xf32, #tpu.memory_space<vmem>>, vector<16xf32>,
      %swap3A_98 = arith.constant 5 : i32
      %swap3A_99 = arith.index_cast %swap3A_98 : i32 to index
      %swap3A_100 = arith.index_cast %scan3A_77#0 : i32 to index
      %swap3A_101 = tpu.vector_load %arg7[%swap3A_99, %swap3A_100] {strides = array<i32>} : memref<16x3200xf32, #tpu.memory_space<vmem>>, vector<16xf32>,
      tpu.vector_store %arg7[%swap3A_99, %swap3A_100], %scan3A_77#6 {strides = array<i32>} : memref<16x3200xf32, #tpu.memory_space<vmem>>, vector<16xf32>,
      %swap3A_102 = arith.constant 6 : i32
      %swap3A_103 = arith.index_cast %swap3A_102 : i32 to index
      %swap3A_104 = arith.index_cast %scan3A_77#0 : i32 to index
      %swap3A_105 = tpu.vector_load %arg7[%swap3A_103, %swap3A_104] {strides = array<i32>} : memref<16x3200xf32, #tpu.memory_space<vmem>>, vector<16xf32>,
      tpu.vector_store %arg7[%swap3A_103, %swap3A_104], %scan3A_77#7 {strides = array<i32>} : memref<16x3200xf32, #tpu.memory_space<vmem>>, vector<16xf32>,
      %swap3A_106 = arith.constant 7 : i32
      %swap3A_107 = arith.index_cast %swap3A_106 : i32 to index
      %swap3A_108 = arith.index_cast %scan3A_77#0 : i32 to index
      %swap3A_109 = tpu.vector_load %arg7[%swap3A_107, %swap3A_108] {strides = array<i32>} : memref<16x3200xf32, #tpu.memory_space<vmem>>, vector<16xf32>,
      tpu.vector_store %arg7[%swap3A_107, %swap3A_108], %scan3A_77#8 {strides = array<i32>} : memref<16x3200xf32, #tpu.memory_space<vmem>>, vector<16xf32>,
      %swap3A_110 = arith.constant 8 : i32
      %swap3A_111 = arith.index_cast %swap3A_110 : i32 to index
      %swap3A_112 = arith.index_cast %scan3A_77#0 : i32 to index
      %swap3A_113 = tpu.vector_load %arg7[%swap3A_111, %swap3A_112] {strides = array<i32>} : memref<16x3200xf32, #tpu.memory_space<vmem>>, vector<16xf32>,
      tpu.vector_store %arg7[%swap3A_111, %swap3A_112], %scan3A_77#9 {strides = array<i32>} : memref<16x3200xf32, #tpu.memory_space<vmem>>, vector<16xf32>,
      %swap3A_114 = arith.constant 9 : i32
      %swap3A_115 = arith.index_cast %swap3A_114 : i32 to index
      %swap3A_116 = arith.index_cast %scan3A_77#0 : i32 to index
      %swap3A_117 = tpu.vector_load %arg7[%swap3A_115, %swap3A_116] {strides = array<i32>} : memref<16x3200xf32, #tpu.memory_space<vmem>>, vector<16xf32>,
      tpu.vector_store %arg7[%swap3A_115, %swap3A_116], %scan3A_77#10 {strides = array<i32>} : memref<16x3200xf32, #tpu.memory_space<vmem>>, vector<16xf32>,
      %swap3A_118 = arith.constant 10 : i32
      %swap3A_119 = arith.index_cast %swap3A_118 : i32 to index
      %swap3A_120 = arith.index_cast %scan3A_77#0 : i32 to index
      %swap3A_121 = tpu.vector_load %arg7[%swap3A_119, %swap3A_120] {strides = array<i32>} : memref<16x3200xf32, #tpu.memory_space<vmem>>, vector<16xf32>,
      tpu.vector_store %arg7[%swap3A_119, %swap3A_120], %scan3A_77#11 {strides = array<i32>} : memref<16x3200xf32, #tpu.memory_space<vmem>>, vector<16xf32>,
      %swap3A_122 = arith.constant 11 : i32
      %swap3A_123 = arith.index_cast %swap3A_122 : i32 to index
      %swap3A_124 = arith.index_cast %scan3A_77#0 : i32 to index
      %swap3A_125 = tpu.vector_load %arg7[%swap3A_123, %swap3A_124] {strides = array<i32>} : memref<16x3200xf32, #tpu.memory_space<vmem>>, vector<16xf32>,
      tpu.vector_store %arg7[%swap3A_123, %swap3A_124], %scan3A_77#12 {strides = array<i32>} : memref<16x3200xf32, #tpu.memory_space<vmem>>, vector<16xf32>,
      %swap3A_126 = arith.constant 12 : i32
      %swap3A_127 = arith.index_cast %swap3A_126 : i32 to index
      %swap3A_128 = arith.index_cast %scan3A_77#0 : i32 to index
      %swap3A_129 = tpu.vector_load %arg7[%swap3A_127, %swap3A_128] {strides = array<i32>} : memref<16x3200xf32, #tpu.memory_space<vmem>>, vector<16xf32>,
      tpu.vector_store %arg7[%swap3A_127, %swap3A_128], %scan3A_77#13 {strides = array<i32>} : memref<16x3200xf32, #tpu.memory_space<vmem>>, vector<16xf32>,
      %swap3A_130 = arith.constant 13 : i32
      %swap3A_131 = arith.index_cast %swap3A_130 : i32 to index
      %swap3A_132 = arith.index_cast %scan3A_77#0 : i32 to index
      %swap3A_133 = tpu.vector_load %arg7[%swap3A_131, %swap3A_132] {strides = array<i32>} : memref<16x3200xf32, #tpu.memory_space<vmem>>, vector<16xf32>,
      tpu.vector_store %arg7[%swap3A_131, %swap3A_132], %scan3A_77#14 {strides = array<i32>} : memref<16x3200xf32, #tpu.memory_space<vmem>>, vector<16xf32>,
      %swap3A_134 = arith.constant 14 : i32
      %swap3A_135 = arith.index_cast %swap3A_134 : i32 to index
      %swap3A_136 = arith.index_cast %scan3A_77#0 : i32 to index
      %swap3A_137 = tpu.vector_load %arg7[%swap3A_135, %swap3A_136] {strides = array<i32>} : memref<16x3200xf32, #tpu.memory_space<vmem>>, vector<16xf32>,
      tpu.vector_store %arg7[%swap3A_135, %swap3A_136], %scan3A_77#15 {strides = array<i32>} : memref<16x3200xf32, #tpu.memory_space<vmem>>, vector<16xf32>,
      %swap3A_138 = arith.constant 15 : i32
      %swap3A_139 = arith.index_cast %swap3A_138 : i32 to index
      %swap3A_140 = arith.index_cast %scan3A_77#0 : i32 to index
      %swap3A_141 = tpu.vector_load %arg7[%swap3A_139, %swap3A_140] {strides = array<i32>} : memref<16x3200xf32, #tpu.memory_space<vmem>>, vector<16xf32>,
      tpu.vector_store %arg7[%swap3A_139, %swap3A_140], %scan3A_77#16 {strides = array<i32>} : memref<16x3200xf32, #tpu.memory_space<vmem>>, vector<16xf32>,
      %add3A_142 = arith.constant 0 : i32
      %add3A_143 = arith.addi %mul3A_2, %add3A_142 : i32
      %dma_start3A = arith.constant 0 : i32
      %dma_start3A_144 = arith.constant 0 : i32
      %dma_start3A_145 = tpu.memref_slice %arg7[%dma_start3A, %dma_start3A_144] : memref<16x3200xf32, #tpu.memory_space<vmem>> -> memref<16x896xf32, #tpu.memory_space<vmem>>
      %dma_start3A_146 = arith.constant 0 : i32
      %dma_start3A_147 = tpu.memref_slice %arg4[%dma_start3A_146, %add3A_143] : memref<16x100000xf32, #tpu.memory_space<hbm>> -> memref<16x896xf32, #tpu.memory_space<hbm>>
      %dma_start3A_148 = arith.constant 0 : i32
      %dma_start3A_149 = tpu.memref_slice %arg4[%dma_start3A_148, %add3A_143] : memref<16x100000xf32, #tpu.memory_space<hbm>> -> memref<16x896xf32, #tpu.memory_space<hbm>>
      %dma_start3A_150 = arith.constant 0 : i32
      %dma_start3A_151 = arith.constant 0 : i32
      %dma_start3A_152 = tpu.memref_slice %arg7[%dma_start3A_150, %dma_start3A_151] : memref<16x3200xf32, #tpu.memory_space<vmem>> -> memref<16x896xf32, #tpu.memory_space<vmem>>
      tpu.enqueue_dma source(%dma_start3A_152 : memref<16x896xf32, #tpu.memory_space<vmem>>) target(%dma_start3A_149 : memref<16x896xf32, #tpu.memory_space<hbm>>) target_semaphore(%arg8 : memref<!tpu.dma_semaphore, #tpu.memory_space<semaphore_mem>>)
      %dma_wait3A = arith.constant 0 : i32
      %dma_wait3A_153 = arith.constant 0 : i32
      %dma_wait3A_154 = tpu.memref_slice %arg7[%dma_wait3A, %dma_wait3A_153] : memref<16x3200xf32, #tpu.memory_space<vmem>> -> memref<16x896xf32, #tpu.memory_space<vmem>>
      %dma_wait3A_155 = arith.constant 0 : i32
      %dma_wait3A_156 = tpu.memref_slice %arg4[%dma_wait3A_155, %add3A_143] : memref<16x100000xf32, #tpu.memory_space<hbm>> -> memref<16x896xf32, #tpu.memory_space<hbm>>
      %dma_wait3A_157 = arith.constant 0 : i32
      %dma_wait3A_158 = tpu.memref_slice %arg4[%dma_wait3A_157, %add3A_143] : memref<16x100000xf32, #tpu.memory_space<hbm>> -> memref<16x896xf32, #tpu.memory_space<hbm>>
      %dma_wait3A_159 = arith.constant 0 : i32
      %dma_wait3A_160 = arith.constant 0 : i32
      %dma_wait3A_161 = tpu.memref_slice %arg7[%dma_wait3A_159, %dma_wait3A_160] : memref<16x3200xf32, #tpu.memory_space<vmem>> -> memref<16x896xf32, #tpu.memory_space<vmem>>
      tpu.wait_dma2 semaphore(%arg8 : memref<!tpu.dma_semaphore, #tpu.memory_space<semaphore_mem>>) src(%dma_wait3A_161 : memref<16x896xf32, #tpu.memory_space<vmem>>) dst(%dma_wait3A_158 : memref<16x896xf32, #tpu.memory_space<hbm>>)
    } else {
    }
    return
  }
}

</mosaic_0001>

<sc_bundles>
// kernel: kernel.3.cloned.1.call-start
scs
__scs_entry_jumppad:
0x0: {  	(pc) =	sbr.rel $0x88, $3  }
0x1: {  	(tag) =	ssettag $0x0;
	lr =	simm.s32 $0x1  }
0x2: {  	[smem:$0x3F9F] =	sst lr;
	_ =	strace $0xD0000000  }
0x3: {  	_ = 	snop  }
0x4: {  	_ = 	snop  }
0x5: {  	_ = 	snop  }
0x6: {  	_ = 	snop  }
0x7: {  	_ = 	snop  }
__scs_overlays_trampoline_lowered:
0x8: {  	[smem:$0x3FAE] =	sst s0  }
0x9: {  	[smem:$0x3FAF] =	sst s1  }
0xa: {  	[smem:$0x3FB0] =	sst s2  }
0xb: {  	[smem:$0x3FB1] =	sst s3  }
0xc: {  	[smem:$0x3FB2] =	sst s4  }
0xd: {  	[smem:$0x3FB3] =	sst s5  }
0xe: {  	[smem:$0x3FB4] =	sst s6  }
0xf: {  	[smem:$0x3FB5] =	sst s7  }
0x10: {  	[smem:$0x3FB6] =	sst s8  }
0x11: {  	[smem:$0x3FB7] =	sst s9;
	s0 =	simm.s32 @!p0 $0x0  }
0x12: {  	s1 =	sld [smem:$0x3F9D];
	s0 =	simm.s32 @p0 $0x1  }
0x13: {  	[smem:$0x3FB8] =	sst s0;
	s0 =	simm.s32 @!p1 $0x0  }
0x14: {  	s2 =	sld [smem:$0x3F9C];
	s0 =	simm.s32 @p1 $0x1  }
0x15: {  	[smem:$0x3FB9] =	sst s0;
	s0 =	simm.s32 @!p2 $0x0  }
0x16: {  	s3 =	sld [smem:$0x3FDB];
	s0 =	simm.s32 @p2 $0x1  }
0x17: {  	s4 =	simm.s32 $0x1BF5;
	[smem:$0x3FBB] =	sst s0  }
0x18: {  	s0 =	sld [smem:$0x3F9E];
	_ =	swait.ge [sflag:s4], $0x0  }
0x19: {  	s7 =	sld [smem:$0x3F9F]  }
0x1a: {  	s8 =	sadd.s32 $0xFFFFE003, lr  }
0x1b: {  	s9 =	sadd.s32 $0xFFFFFEF7, lr;
	s5 =	simm.s32 $0xFFFFFFFF;
	p2 =	slt.u32 s8, $0xFFFFF086  }
0x1c: {  	p1 =	slt.u32 s9, $0xF7A;
	s5 =	simm.s32 @!p2 $0x0  }
0x1d: {  	s5 =	simm.s32 @p1 $0x1;
	p0 =	seq.s32 s7, s2  }
0x1e: {  	s7 =	smul.u32 @!p0 $0xF7A, s2;
	p2 =	seq.s32 @!p0 s5, $0x0  }
0x1f: {  	s9 =	smul.u32 $0xF7A, s1;
	s8 =	simm.s32 @!p0 $0x1BF5;
	p2 =	por !p2, p0  }
0x20: {  	[sflag:s8] =	ssyncset.s32 @!p0 $0xFFFFF086;
	s6 =	sadd.s32 @!p0 s3, s7;
	s7 =	simm.s32 @!p0 $0x108  }
0x21: {  	s3 =	sadd.s32 s3, s9;
	s6 =	sadd.s32 @!p0 $0x88, s6;
	s7 =	simm.s32 @p2 $0x1082  }
0x22: {  	[simem:s7], [sflag:s8] =	dma.local @!p0 [hbm:s6], $0xF7A  }
0x23: {  	s9 =	sor.u32 $0xD0000000, s2;
	s6 =	simm.s32 $0x108;
	_ =	swait.ge @!p0 [sflag:s8], $0x0  }
0x24: {  	s3 =	sadd.s32 $0x88, s3;
	s6 =	simm.s32 @!p1 $0x1082;
	[sflag:s4] =	ssyncset.s32 $0xFFFFF086  }
0x25: {  	[simem:s6], [sflag:s4] =	dma.local [hbm:s3], $0xF7A  }
0x26: {  	[smem:$0x3F9F] =	sst s1;
	(tag) =	ssettag s2;
	_ =	strace s9  }
0x27: {  	s1 =	sld [smem:$0x3FAF]  }
0x28: {  	s2 =	sld [smem:$0x3FB0]  }
0x29: {  	s4 =	sld [smem:$0x3FB2]  }
0x2a: {  	p0 =	seq.s32 s5, $0x0;
	s5 =	sld [smem:$0x3FB3]  }
0x2b: {  	s6 =	sld [smem:$0x3FB4]  }
0x2c: {  	s7 =	sld [smem:$0x3FB5]  }
0x2d: {  	s3 =	simm.s32 $0x108;
	s8 =	sld [smem:$0x3FB6]  }
0x2e: {  	s3 =	simm.s32 @!p0 $0x1082;
	s9 =	sld [smem:$0x3FB7]  }
0x2f: {  	lr =	sadd.s32 s0, s3;
	s0 =	sld [smem:$0x3FAE]  }
0x30: {  	s3 =	sld [smem:$0x3FB1]  }
0x31: {  	[smem:$0x3FBA] =	sst s10  }
0x32: {  	s10 =	sld [smem:$0x3FB8];
	_ =	sdelay $0x3  }
0x33: {  	p0 =	seq.s32 s10, $0x1;
	s10 =	sld [smem:$0x3FBA];
	_ =	sdelay $0x3  }
0x34: {  	[smem:$0x3FBA] =	sst s10  }
0x35: {  	s10 =	sld [smem:$0x3FB9];
	_ =	sdelay $0x3  }
0x36: {  	p1 =	seq.s32 s10, $0x1;
	s10 =	sld [smem:$0x3FBA];
	_ =	sdelay $0x3  }
0x37: {  	[smem:$0x3FBA] =	sst s10  }
0x38: {  	s10 =	sld [smem:$0x3FBB]  }
0x39: {  	_ = 	snop;
	(pc) =	sbr.ind lr, $3  }
0x3a: {  	_ = 	snop  }
0x3b: {  	_ = 	snop  }
0x3c: {  	p2 =	seq.s32 s10, $0x1;
	s10 =	sld [smem:$0x3FBA]  }
0x3d: {  	_ =	shalt  }
0x3e: {  	_ =	shalt  }
0x3f: {  	_ =	shalt  }
0x40: {  	_ =	shalt  }
0x41: {  	_ =	shalt  }
0x42: {  	_ =	shalt  }
0x43: {  	_ =	shalt  }
0x44: {  	_ =	shalt  }
0x45: {  	_ =	shalt  }
0x46: {  	_ =	shalt  }
0x47: {  	_ =	shalt  }
0x48: {  	_ =	shalt  }
0x49: {  	_ =	shalt  }
0x4a: {  	_ =	shalt  }
0x4b: {  	_ =	shalt  }
0x4c: {  	_ =	shalt  }
0x4d: {  	_ =	shalt  }
0x4e: {  	_ =	shalt  }
0x4f: {  	_ =	shalt  }
0x50: {  	_ =	shalt  }
0x51: {  	_ =	shalt  }
0x52: {  	_ =	shalt  }
0x53: {  	_ =	shalt  }
0x54: {  	_ =	shalt  }
0x55: {  	_ =	shalt  }
0x56: {  	_ =	shalt  }
0x57: {  	_ =	shalt  }
0x58: {  	_ =	shalt  }
0x59: {  	_ =	shalt  }
0x5a: {  	_ =	shalt  }
0x5b: {  	_ =	shalt  }
0x5c: {  	_ =	shalt  }
0x5d: {  	_ =	shalt  }
0x5e: {  	_ =	shalt  }
0x5f: {  	_ =	shalt  }
0x60: {  	_ =	shalt  }
0x61: {  	_ =	shalt  }
0x62: {  	_ =	shalt  }
0x63: {  	_ =	shalt  }
0x64: {  	_ =	shalt  }
0x65: {  	_ =	shalt  }
0x66: {  	_ =	shalt  }
0x67: {  	_ =	shalt  }
0x68: {  	_ =	shalt  }
0x69: {  	_ =	shalt  }
0x6a: {  	_ =	shalt  }
0x6b: {  	_ =	shalt  }
0x6c: {  	_ =	shalt  }
0x6d: {  	_ =	shalt  }
0x6e: {  	_ =	shalt  }
0x6f: {  	_ =	shalt  }
0x70: {  	_ =	shalt  }
0x71: {  	_ =	shalt  }
0x72: {  	_ =	shalt  }
0x73: {  	_ =	shalt  }
0x74: {  	_ =	shalt  }
0x75: {  	_ =	shalt  }
0x76: {  	_ =	shalt  }
0x77: {  	_ =	shalt  }
0x78: {  	_ =	shalt  }
0x79: {  	_ =	shalt  }
0x7a: {  	_ =	shalt  }
0x7b: {  	_ =	shalt  }
0x7c: {  	_ =	shalt  }
0x7d: {  	_ =	shalt  }
0x7e: {  	_ =	shalt  }
0x7f: {  	_ =	shalt  }
0x80: {  	_ =	shalt  }
0x81: {  	_ =	shalt  }
0x82: {  	_ =	shalt  }
0x83: {  	_ =	shalt  }
0x84: {  	_ =	shalt  }
0x85: {  	_ =	shalt  }
0x86: {  	_ =	shalt  }
0x87: {  	_ =	shalt  }
.Lfunc_end0:
.L_simem_size_0:
called_computation_lowered:
.L_overlay_start_0:
0x88: {  	s2 =	sld [smem:$0x3FD9]  }
0x89: {  	s3 =	sld [smem:$0x3FFE];
	_ =	sdelay $0x1  }
0x8a: {  	s1 =	srdreg.scid  }
0x8b: {  	s0 =	sand.u32 $0x1, s1  }
0x8c: {  	s17 =	sshll.u32 s0, $0xA;
	s2 =	sadd.s32 s3, s2  }
0x8d: {  	s2 =	sadd.s32 s2, s17  }
0x8e: {  	[smem:$0x3FC6] =	sst s2  }
0x8f: {  	_ = 	snop  }
0x90: {  	s2 =	sld [smem:$0x3FC9]  }
0x91: {  	s18 =	sld [smem:$0x3FD0];
	(tm) =	ssettm $0x1  }
0x92: {  	s4 =	sld [smem:$0x3FFB];
	_ =	sdelay $0x3  }
0x93: {  	_ =	strace s4  }
0x94: {  	s4 =	sld [smem:$0x3FFC];
	_ =	sdelay $0x3  }
0x95: {  	_ =	strace s4  }
0x96: {  	s4 =	sld [smem:$0x3FFD];
	_ =	sdelay $0x3  }
0x97: {  	_ =	strace s4  }
0x98: {  	_ =	strace $0x8FFFFFFF  }
0x99: {  	s19 =	sld [smem:$0x3FDB];
	_ =	sdelay $0x1  }
0x9a: {  	s5 =	simm.s32 $_scs_section_size  }
0x9b: {  	s6 =	simm.s32 $_size__tile_overlayer_lowered;
	s7 =	simm.s32 $_tile_overlayer_lowered  }
0x9c: {  	s22 =	simm.s32 $0x1BFF;
	s21 =	sshll.u32 s7, $0x1;
	s4 =	sadd.s32 s5, s19  }
0x9d: {  	s8 =	simm.s32 $0x0;
	s20 =	sshll.u32 s6, $0x1;
	s6 =	sadd.s32 s21, s4  }
0x9e: {  	[timem:s8], [sflag:s22] =	dma.local [hbm:s6], s20  }
0x9f: {  	_ =	swait.ge [sflag:s22], s20  }
0xa0: {  	s5 =	ssub.s32 $0x0, s20;
	[sflag:s22] =	ssyncset.done $0x0  }
0xa1: {  	[sflag:s22] =	ssyncadd.s32 s5;
	_ =	sdelay $0x1  }
0xa2: {  	s23 =	simm.s32 $0x1B8B  }
0xa3: {  	_ =	swait.ge [sflag:s23], $0x1  }
0xa4: {  	[sflag:s23] =	ssyncset.done $0x0  }
0xa5: {  	s25 =	simm.s32 $0x1B8E;
	s24 =	sld [smem:$0x3FFE];
	[sflag:s23] =	ssyncadd.s32 $0xFFFFFFFF  }
0xa6: {  	s26 =	simm.s32 $execute0_lowered;
	[smem:$0x3FD2] =	sst s25  }
0xa7: {  	s6 =	sshll.u32 s26, $0x1;
	_ =	strace $0x80000046;
	[dreg:$0x1] =	wrdreg $0xFFFFFFFF  }
0xa8: {  	s28 =	simm.s32 $_size_execute0_lowered;
	s4 =	sadd.s32 s4, s6;
	[dreg:$0x0] =	wrdreg $0x0  }
0xa9: {  	s6 =	sshll.u32 s28, $0x1;
	[dreg:$0x2] =	wrdreg s4  }
0xaa: {  	[dreg:$0x3] =	wrdreg s6  }
0xab: {  	[dreg:$0x4] =	wrdreg $0xC0  }
0xac: {  	_ =	task [dreg:s8], $0x5FFFF  }
0xad: {  	[dreg:$0x1] =	wrdreg $0xFFFFFFFF  }
0xae: {  	[dreg:$0x0] =	wrdreg $0x60  }
0xaf: {  	[dreg:$0x2] =	wrdreg s24  }
0xb0: {  	[dreg:$0x3] =	wrdreg s2  }
0xb1: {  	[dreg:$0x4] =	wrdreg s18  }
0xb2: {  	[dreg:$0x5] =	wrdreg $0x9  }
0xb3: {  	_ =	task.clear_ibuf [dreg:s8], $0x6FFFF;
	_ =	strace $0x90000046  }
0xb4: {  	s29 =	simm.s32 $0x9;
	_ =	strace $0x80000048  }
0xb5: {  	_ =	swait.ge [sflag:s29], $0x1  }
0xb6: {  	[sflag:s29] =	ssyncadd.s32 $0xFFFFFFFF  }
0xb7: {  	_ =	strace $0x90000048  }
0xb8: {  	_ =	sfence  }
0xb9: {  	s30 =	sld [smem:$0x0];
	_ =	sdelay $0x2  }
0xba: {  	s31 =	sshll.u32 s1, $0xD;
	s1 =	sshrl.u32 s1, $0x2  }
0xbb: {  	s3 =	sand.u32 $0x4000, s31;
	s1 =	sadd.s32 s1, s30  }
0xbc: {  	s0 =	sor.u32 s3, s0;
	s1 =	sshll.u32 s1, $0x11  }
0xbd: {  	s0 =	sor.u32 s1, s0  }
0xbe: {  	s0 =	sadd.s32 $0x8F2B, s0  }
0xbf: {  	[sflag:s0] =	ssyncadd.remote.s32 $0x1  }
0xc0: {  	_ =	sfence.sel $0xFFFF  }
0xc1: {  	[dreg:$0x0] =	wrdreg $0xFFFFFFFF;
	(pc) =	sbr.abs _section_cstart, $3  }
0xc2: {  	[dreg:$0x1] =	wrdreg $0xFFFFFFFF  }
0xc3: {  	_ =	task.clear_ibuf [dreg:s8], $0x2FFFF;
	_ =	strace $0x9FFFFFFF  }
0xc4: {  	(tm) =	ssettm $0x7FFFFFFF  }
0xc5: {  	_ =	shalt  }
tec
execute0_lowered:
.L_overlay_start_1:
0x0: {  	(tag) =	ssettag $0x1  }
0x1: {  	s3 =	rddreg [dreg:$0x0]  }
0x2: {  	s9 =	rddreg [dreg:$0x1]  }
0x3: {  	s10 =	rddreg [dreg:$0x2]  }
0x4: {  	s0 =	rddreg [dreg:$0x3];
	s4 =	srdreg.scid  }
0x5: {  	s1 =	stileid.u32;
	s2 =	simm.s32 $0x0;
	s14 =	simm.s32 $0x1300  }
0x6: {  	s16 =	simm.s32 $0x7700;
	s17 =	simm.s32 $0x1;
	s18 =	simm.s32 $0x2F00  }
0x7: {  	s19 =	simm.s32 $0x9300;
	s20 =	simm.s32 $0x4700;
	s21 =	simm.s32 $0xAB00  }
0x8: {  	s22 =	simm.s32 $0x5F00;
	s4 =	sand.u32 $0x1, s4;
	s5 =	sshll.u32 s1, $0x1  }
0x9: {  	s23 =	simm.s32 $0xC300;
	s24 =	simm.s32 $0x0;
	s12 =	sor.u32 s4, s5  }
0xa: {  	[smem:$0x7FF] =	sst s2;
	s3 =	sadd.s32 $0x400, s3;
	s5 =	smul.u32 $0x6400, s12  }
0xb: {  	_ =	strace $0x80000047;
	s4 =	ssub.s32 $0x2, s4;
	s6 =	smul.u32 $0x190, s12  }
0xc: {  	s7 =	sshrl.u32 s4, $0x1;
	s8 =	smul.u32 $0xC80, s12;
	p0 =	seq.s32 s12, $0x1F  }
.Ltmp0:
0xd: {  	s12 =	simm.s32 $0x2;
	s11 =	ssub.s32 s4, s7;
	(pc) =	sbr.rel .LBB2_1-.Ltmp0, $4  }
0xe: {  	s5 =	sshrl.u32 s5, $0x3;
	s4 =	sadd.s32 s9, s6;
	s9 =	sadd.s32 $0x3070, s9  }
0xf: {  	s11 =	smax.u32 s11, $0x1;
	s13 =	sadd.s32 s10, s5;
	s5 =	sadd.s32 s10, s8  }
0x10: {  	s10 =	sadd.s32 $0x18380, s10;
	s6 =	sadd.s32 $0x380, s13;
	s7 =	sadd.s32 $0x680, s13  }
0x11: {  	s8 =	sadd.s32 $0x980, s13;
	s13 =	simm.s32 $0x680;
	s15 =	sadd.s32 $0x18700, s10  }
.LBB2_10:
0x12: {  	[tilespmem:$0x7370] =	vst v1  }
0x13: {  	[tilespmem:$0x73F0] =	vst v0  }
0x14: {  	[tilespmem:$0x7470] =	vst v2  }
0x15: {  	[tilespmem:$0x74F0] =	vst v3  }
0x16: {  	[tilespmem:$0x7570] =	vst v4  }
0x17: {  	[tilespmem:$0x75F0] =	vst v5  }
0x18: {  	[tilespmem:$0x7670] =	vst v6  }
0x19: {  	[tilespmem:$0x76F0] =	vst v7  }
0x1a: {  	[tilespmem:$0xD770] =	vst v8  }
0x1b: {  	[tilespmem:$0xD7F0] =	vst v10  }
0x1c: {  	[tilespmem:$0xD870] =	vst v13  }
0x1d: {  	[tilespmem:$0xD8F0] =	vst v15  }
0x1e: {  	[tilespmem:$0xD970] =	vst v14  }
0x1f: {  	[tilespmem:$0xD9F0] =	vst v12  }
0x20: {  	[tilespmem:$0xDA70] =	vst v9  }
0x21: {  	[tilespmem:$0xDAF0] =	vst v11  }
0x22: {  	[hbm4b:s8+s2] =	stream.linear.scatter [tilespmem:s22], [sflag:$0x1], $0x1800, $0x38;
	[tilespmem:$0xDB00] =	vst v63  }
0x23: {  	s25 =	sadd.s32 $0x18700, s8  }
0x24: {  	[hbm4b:s25+s2] =	stream.linear.scatter [tilespmem:s23], [sflag:$0x1], $0x1800, $0x38;
	[tilespmem:$0xDB00] =	vst v63  }
0x25: {  	_ =	swait.ge [sflag:s17], $0x3800  }
0x26: {  	[sflag:s17] =	ssyncset.done $0x0  }
0x27: {  	[sflag:s17] =	ssyncadd.s32 $0xFFFFC800  }
0x28: {  	_ =	swait.ge [sflag:s17], $0x3000  }
0x29: {  	[sflag:s17] =	ssyncset.done $0x0  }
0x2a: {  	[sflag:s17] =	ssyncadd.s32 $0xFFFFD000  }
0x2b: {  	_ =	swait.ge [sflag:s17], $0x3000  }
0x2c: {  	[sflag:s17] =	ssyncset.done $0x0  }
0x2d: {  	[sflag:s17] =	ssyncadd.s32 $0xFFFFD000  }
0x2e: {  	_ =	swait.ge [sflag:s17], $0x3000  }
0x2f: {  	[sflag:s17] =	ssyncset.done $0x0  }
0x30: {  	[sflag:s17] =	ssyncadd.s32 $0xFFFFD000  }
.LBB2_14:
0x31: {  	s24 =	sadd.s32 $0x1, s24  }
0x32: {  	p1 =	sne.s32 s24, s11  }
.Ltmp1:
0x33: {  	_ = 	snop;
	(pc) =	sbr.rel @!p1 .LBB2_15-.Ltmp1, $1  }
0x34: {  	_ =	sdelay $0x3  }
.LBB2_1:
.Ltmp2:
0x35: {  	(pc) =	sbr.rel @!p0 .LBB2_2-.Ltmp2, $4  }
0x36: {  	[tilespmem:s2], [sflag:$0x2] =	stream.linear.gather [hbm4b:s3+s2], $0x680, $0x38;
	[tilespmem:$0xDB00] =	vst v63  }
0x37: {  	_ =	swait.ge [sflag:s12], $0x680  }
0x38: {  	[sflag:s12] =	ssyncset.done $0x0  }
0x39: {  	s25 =	simm.s32 $0x0;
	[sflag:s12] =	ssyncadd.s32 $0xFFFFF980  }
0x3a: {  	[tilespmem:s13], [sflag:$0x2] =	stream.linear.gather [hbm4b:s9+s25], $0x320, $0x38;
	[tilespmem:$0xDB00] =	vst v63  }
0x3b: {  	_ =	swait.ge [sflag:s12], $0x320  }
0x3c: {  	[sflag:s12] =	ssyncset.done $0x0  }
0x3d: {  	[sflag:s12] =	ssyncadd.s32 $0xFFFFFCE0  }
0x3e: {  	v9 =	vld [tilespmem:$0x680];
	_ =	sdelay $0x4  }
0x3f: {  	v0 =	vadd.s32 $0x64, v9  }
0x40: {  	v2 =	vadd.s32 $0xC8, v9  }
0x41: {  	v3 =	vadd.s32 $0x12C, v9  }
0x42: {  	v4 =	vadd.s32 $0x190, v9  }
0x43: {  	v5 =	vadd.s32 $0x1F4, v9;
	v1 =	vld.idx.msk [tilespmem:v9+s25+$0x0], $0xffff  }
0x44: {  	v6 =	vadd.s32 $0x258, v9;
	v0 =	vld.idx.msk [tilespmem:v0+s25+$0x0], $0xffff  }
0x45: {  	v7 =	vadd.s32 $0x2BC, v9;
	v2 =	vld.idx.msk [tilespmem:v2+s25+$0x0], $0xffff  }
0x46: {  	v10 =	vadd.s32 $0x320, v9;
	v3 =	vld.idx.msk [tilespmem:v3+s25+$0x0], $0xffff  }
0x47: {  	v11 =	vadd.s32 $0x384, v9;
	v4 =	vld.idx.msk [tilespmem:v4+s25+$0x0], $0xffff  }
0x48: {  	v12 =	vadd.s32 $0x3E8, v9;
	v5 =	vld.idx.msk [tilespmem:v5+s25+$0x0], $0xffff  }
0x49: {  	v14 =	vadd.s32 $0x44C, v9;
	v8 =	vld.idx.msk [tilespmem:v6+s25+$0x0], $0xffff  }
0x4a: {  	v16 =	vadd.s32 $0x4B0, v9;
	v7 =	vld.idx.msk [tilespmem:v7+s25+$0x0], $0xffff  }
0x4b: {  	v17 =	vadd.s32 $0x514, v9;
	v6 =	vld.idx.msk [tilespmem:v10+s25+$0x0], $0xffff  }
0x4c: {  	v10 =	vld.idx.msk [tilespmem:v11+s25+$0x0], $0xffff;
	v11 =	vadd.s32 $0x578, v9  }
0x4d: {  	v18 =	vadd.s32 $0x5DC, v9;
	v13 =	vld.idx.msk [tilespmem:v12+s25+$0x0], $0xffff  }
0x4e: {  	v15 =	vld.idx.msk [tilespmem:v14+s25+$0x0], $0xffff  }
0x4f: {  	v14 =	vld.idx.msk [tilespmem:v16+s25+$0x0], $0xffff  }
0x50: {  	v12 =	vld.idx.msk [tilespmem:v17+s25+$0x0], $0xffff  }
0x51: {  	v9 =	vld.idx.msk [tilespmem:v11+s25+$0x0], $0xffff  }
0x52: {  	s26 =	simm.s32 $0x690;
	s28 =	simm.s32 $0x0;
	s29 =	simm.s32 $0x0;
	v11 =	vld.idx.msk [tilespmem:v18+s25+$0x0], $0xffff  }
.LBB2_12:
0x53: {  	v16 =	vld [tilespmem:s26+$0x0];
	_ =	sdelay $0x4  }
0x54: {  	v17 =	vadd.s32 $0x64, v16  }
0x55: {  	v19 =	vadd.s32 $0xC8, v16  }
0x56: {  	s30 =	sand.u32 $0x70, s29;
	s31 =	sand.u32 $0x7FFFFC00, s28  }
0x57: {  	v18 =	vmov v1;
	s30 =	sor.u32 s30, s31  }
0x58: {  	v20 =	vmov v0;
	v45 =	vadd.s32 $0x12C, v16;
	v1 =	vld.idx.msk [tilespmem:v16+s2+$0x0], $0xffff;
	[tilespmem:s30+$0x1300] =	vst v18  }
0x59: {  	v46 =	vadd.s32 $0x190, v16;
	v0 =	vld.idx.msk [tilespmem:v17+s2+$0x0], $0xffff;
	v17 =	vmov v2;
	[tilespmem:s30+$0x1380] =	vst v20  }
0x5a: {  	v2 =	vld.idx.msk [tilespmem:v19+s2+$0x0], $0xffff;
	[tilespmem:s30+$0x1400] =	vst v17;
	v17 =	vadd.s32 $0x1F4, v16  }
0x5b: {  	v49 =	vadd.s32 $0x258, v16  }
0x5c: {  	v47 =	vmov v3  }
0x5d: {  	v48 =	vmov v4;
	v3 =	vld.idx.msk [tilespmem:v45+s2+$0x0], $0xffff;
	[tilespmem:s30+$0x1480] =	vst v47  }
0x5e: {  	v50 =	vmov v5;
	v51 =	vadd.s32 $0x2BC, v16;
	v4 =	vld.idx.msk [tilespmem:v46+s2+$0x0], $0xffff;
	[tilespmem:s30+$0x1500] =	vst v48  }
0x5f: {  	s31 =	sand.u32 $0x7, s25;
	v52 =	vadd.s32 $0x320, v16;
	v5 =	vld.idx.msk [tilespmem:v17+s2+$0x0], $0xffff;
	v17 =	vmov v8;
	[tilespmem:s30+$0x1580] =	vst v50  }
0x60: {  	s31 =	sshll.u32 s31, $0x4;
	v8 =	vld.idx.msk [tilespmem:v49+s2+$0x0], $0xffff;
	[tilespmem:s30+$0x1600] =	vst v17;
	v17 =	vadd.s32 $0x384, v16  }
0x61: {  	s31 =	sadd.s32 s31, s28;
	v55 =	vadd.s32 $0x3E8, v16  }
0x62: {  	v53 =	vmov v7;
	s31 =	sor.u32 $0x380, s31  }
0x63: {  	v54 =	vmov v6;
	v7 =	vld.idx.msk [tilespmem:v51+s2+$0x0], $0xffff;
	[tilespmem:s31+$0x1300] =	vst v53  }
0x64: {  	v56 =	vmov v10;
	v57 =	vadd.s32 $0x44C, v16;
	v6 =	vld.idx.msk [tilespmem:v52+s2+$0x0], $0xffff;
	[tilespmem:s30+$0x7700] =	vst v54  }
0x65: {  	v58 =	vadd.s32 $0x4B0, v16;
	v10 =	vld.idx.msk [tilespmem:v17+s2+$0x0], $0xffff;
	v17 =	vmov v13;
	[tilespmem:s30+$0x7780] =	vst v56  }
0x66: {  	v13 =	vld.idx.msk [tilespmem:v55+s2+$0x0], $0xffff;
	[tilespmem:s30+$0x7800] =	vst v17;
	v17 =	vadd.s32 $0x514, v16  }
0x67: {  	v61 =	vadd.s32 $0x578, v16  }
0x68: {  	v59 =	vmov v15;
	p1 =	sne.s32 s29, $0x300;
	v16 =	vadd.s32 $0x5DC, v16  }
.Ltmp3:
0x69: {  	v60 =	vmov v14;
	v15 =	vld.idx.msk [tilespmem:v57+s2+$0x0], $0xffff;
	[tilespmem:s30+$0x7880] =	vst v59;
	(pc) =	sbr.rel @p1 .LBB2_12-.Ltmp3, $4  }
0x6a: {  	v62 =	vmov v12;
	v14 =	vld.idx.msk [tilespmem:v58+s2+$0x0], $0xffff;
	[tilespmem:s30+$0x7900] =	vst v60  }
0x6b: {  	v12 =	vld.idx.msk [tilespmem:v17+s2+$0x0], $0xffff;
	[tilespmem:s30+$0x7980] =	vst v62;
	v17 =	vmov v9  }
0x6c: {  	s26 =	sadd.s32 $0x10, s26;
	v63 =	vmov v11;
	v9 =	vld.idx.msk [tilespmem:v61+s2+$0x0], $0xffff;
	[tilespmem:s30+$0x7A00] =	vst v17  }
0x6d: {  	s29 =	sadd.s32 $0x10, s29;
	s25 =	sadd.s32 $0x1, s25;
	s28 =	sadd.s32 $0x80, s28;
	v11 =	vld.idx.msk [tilespmem:v16+s2+$0x0], $0xffff;
	[tilespmem:s30+$0x7A80] =	vst v63  }
0x6e: {  	[tilespmem:$0x2B10] =	vst v1  }
0x6f: {  	[tilespmem:$0x2B90] =	vst v0  }
0x70: {  	[tilespmem:$0x2C10] =	vst v2  }
0x71: {  	[tilespmem:$0x2C90] =	vst v3  }
0x72: {  	[tilespmem:$0x2D10] =	vst v4  }
0x73: {  	[tilespmem:$0x2D90] =	vst v5  }
0x74: {  	[tilespmem:$0x2E10] =	vst v8  }
0x75: {  	[tilespmem:$0x2E90] =	vst v7  }
0x76: {  	[tilespmem:$0x8F10] =	vst v6  }
0x77: {  	[tilespmem:$0x8F90] =	vst v10  }
0x78: {  	[tilespmem:$0x9010] =	vst v13  }
0x79: {  	[tilespmem:$0x9090] =	vst v15  }
0x7a: {  	[tilespmem:$0x9110] =	vst v14  }
0x7b: {  	[tilespmem:$0x9190] =	vst v12  }
0x7c: {  	[tilespmem:$0x9210] =	vst v9  }
0x7d: {  	[tilespmem:$0x9290] =	vst v11  }
0x7e: {  	[hbm4b:s10+s2] =	stream.linear.scatter [tilespmem:s14], [sflag:$0x1], $0x1C00, $0x38;
	[tilespmem:$0xDB00] =	vst v63  }
.Ltmp4:
0x7f: {  	_ = 	snop;
	(pc) =	sbr.rel .LBB2_14-.Ltmp4, $4  }
0x80: {  	[hbm4b:s15+s2] =	stream.linear.scatter [tilespmem:s16], [sflag:$0x1], $0x1C00, $0x38;
	[tilespmem:$0xDB00] =	vst v63  }
0x81: {  	_ =	swait.ge [sflag:s17], $0x3800  }
0x82: {  	[sflag:s17] =	ssyncset.done $0x0  }
0x83: {  	[sflag:s17] =	ssyncadd.s32 $0xFFFFC800  }
.LBB2_2:
0x84: {  	[tilespmem:s13], [sflag:$0x2] =	stream.linear.gather [hbm4b:s4+s25], $0xC80, $0x38;
	[tilespmem:$0xDB00] =	vst v63  }
0x85: {  	_ =	swait.ge [sflag:s12], $0xC80  }
0x86: {  	[sflag:s12] =	ssyncset.done $0x0  }
0x87: {  	[sflag:s12] =	ssyncadd.s32 $0xFFFFF380  }
0x88: {  	v9 =	vld [tilespmem:$0x680];
	_ =	sdelay $0x4  }
0x89: {  	v0 =	vadd.s32 $0x64, v9  }
0x8a: {  	v2 =	vadd.s32 $0xC8, v9  }
0x8b: {  	v3 =	vadd.s32 $0x12C, v9  }
0x8c: {  	v4 =	vadd.s32 $0x190, v9  }
0x8d: {  	v5 =	vadd.s32 $0x1F4, v9;
	v1 =	vld.idx.msk [tilespmem:v9+s25+$0x0], $0xffff  }
0x8e: {  	v6 =	vadd.s32 $0x258, v9;
	v0 =	vld.idx.msk [tilespmem:v0+s25+$0x0], $0xffff  }
0x8f: {  	v7 =	vadd.s32 $0x2BC, v9;
	v2 =	vld.idx.msk [tilespmem:v2+s25+$0x0], $0xffff  }
0x90: {  	v10 =	vadd.s32 $0x320, v9;
	v3 =	vld.idx.msk [tilespmem:v3+s25+$0x0], $0xffff  }
0x91: {  	v11 =	vadd.s32 $0x384, v9;
	v4 =	vld.idx.msk [tilespmem:v4+s25+$0x0], $0xffff  }
0x92: {  	v12 =	vadd.s32 $0x3E8, v9;
	v5 =	vld.idx.msk [tilespmem:v5+s25+$0x0], $0xffff  }
0x93: {  	v14 =	vadd.s32 $0x44C, v9;
	v8 =	vld.idx.msk [tilespmem:v6+s25+$0x0], $0xffff  }
0x94: {  	v16 =	vadd.s32 $0x4B0, v9;
	v7 =	vld.idx.msk [tilespmem:v7+s25+$0x0], $0xffff  }
0x95: {  	v17 =	vadd.s32 $0x514, v9;
	v6 =	vld.idx.msk [tilespmem:v10+s25+$0x0], $0xffff  }
0x96: {  	v10 =	vld.idx.msk [tilespmem:v11+s25+$0x0], $0xffff;
	v11 =	vadd.s32 $0x578, v9  }
0x97: {  	v18 =	vadd.s32 $0x5DC, v9;
	v13 =	vld.idx.msk [tilespmem:v12+s25+$0x0], $0xffff  }
0x98: {  	v15 =	vld.idx.msk [tilespmem:v14+s25+$0x0], $0xffff  }
0x99: {  	v14 =	vld.idx.msk [tilespmem:v16+s25+$0x0], $0xffff  }
0x9a: {  	v12 =	vld.idx.msk [tilespmem:v17+s25+$0x0], $0xffff  }
0x9b: {  	v9 =	vld.idx.msk [tilespmem:v11+s25+$0x0], $0xffff  }
0x9c: {  	s26 =	simm.s32 $0x690;
	s28 =	simm.s32 $0x0;
	s29 =	simm.s32 $0x0;
	v11 =	vld.idx.msk [tilespmem:v18+s25+$0x0], $0xffff  }
.LBB2_3:
0x9d: {  	v16 =	vld [tilespmem:s26+$0x0];
	_ =	sdelay $0x4  }
0x9e: {  	v17 =	vadd.s32 $0x64, v16  }
0x9f: {  	v19 =	vadd.s32 $0xC8, v16  }
0xa0: {  	s30 =	sand.u32 $0x70, s29;
	s31 =	sand.u32 $0x7FFFFC00, s28  }
0xa1: {  	v18 =	vmov v1;
	s30 =	sor.u32 s30, s31  }
0xa2: {  	v20 =	vmov v0;
	v45 =	vadd.s32 $0x12C, v16;
	v1 =	vld.idx.msk [tilespmem:v16+s2+$0x0], $0xffff;
	[tilespmem:s30+$0x1300] =	vst v18  }
0xa3: {  	v46 =	vadd.s32 $0x190, v16;
	v0 =	vld.idx.msk [tilespmem:v17+s2+$0x0], $0xffff;
	v17 =	vmov v2;
	[tilespmem:s30+$0x1380] =	vst v20  }
0xa4: {  	v2 =	vld.idx.msk [tilespmem:v19+s2+$0x0], $0xffff;
	[tilespmem:s30+$0x1400] =	vst v17;
	v17 =	vadd.s32 $0x1F4, v16  }
0xa5: {  	v49 =	vadd.s32 $0x258, v16  }
0xa6: {  	v47 =	vmov v3  }
0xa7: {  	v48 =	vmov v4;
	v3 =	vld.idx.msk [tilespmem:v45+s2+$0x0], $0xffff;
	[tilespmem:s30+$0x1480] =	vst v47  }
0xa8: {  	v50 =	vmov v5;
	v51 =	vadd.s32 $0x2BC, v16;
	v4 =	vld.idx.msk [tilespmem:v46+s2+$0x0], $0xffff;
	[tilespmem:s30+$0x1500] =	vst v48  }
0xa9: {  	s31 =	sand.u32 $0x7, s25;
	v52 =	vadd.s32 $0x320, v16;
	v5 =	vld.idx.msk [tilespmem:v17+s2+$0x0], $0xffff;
	v17 =	vmov v8;
	[tilespmem:s30+$0x1580] =	vst v50  }
0xaa: {  	s31 =	sshll.u32 s31, $0x4;
	v8 =	vld.idx.msk [tilespmem:v49+s2+$0x0], $0xffff;
	[tilespmem:s30+$0x1600] =	vst v17;
	v17 =	vadd.s32 $0x384, v16  }
0xab: {  	s31 =	sadd.s32 s31, s28;
	v55 =	vadd.s32 $0x3E8, v16  }
0xac: {  	v53 =	vmov v7;
	s31 =	sor.u32 $0x380, s31  }
0xad: {  	v54 =	vmov v6;
	v7 =	vld.idx.msk [tilespmem:v51+s2+$0x0], $0xffff;
	[tilespmem:s31+$0x1300] =	vst v53  }
0xae: {  	v56 =	vmov v10;
	v57 =	vadd.s32 $0x44C, v16;
	v6 =	vld.idx.msk [tilespmem:v52+s2+$0x0], $0xffff;
	[tilespmem:s30+$0x7700] =	vst v54  }
0xaf: {  	v58 =	vadd.s32 $0x4B0, v16;
	v10 =	vld.idx.msk [tilespmem:v17+s2+$0x0], $0xffff;
	v17 =	vmov v13;
	[tilespmem:s30+$0x7780] =	vst v56  }
0xb0: {  	v13 =	vld.idx.msk [tilespmem:v55+s2+$0x0], $0xffff;
	[tilespmem:s30+$0x7800] =	vst v17;
	v17 =	vadd.s32 $0x514, v16  }
0xb1: {  	v61 =	vadd.s32 $0x578, v16  }
0xb2: {  	v59 =	vmov v15;
	p1 =	sne.s32 s29, $0x360;
	v16 =	vadd.s32 $0x5DC, v16  }
.Ltmp5:
0xb3: {  	v60 =	vmov v14;
	v15 =	vld.idx.msk [tilespmem:v57+s2+$0x0], $0xffff;
	[tilespmem:s30+$0x7880] =	vst v59;
	(pc) =	sbr.rel @p1 .LBB2_3-.Ltmp5, $4  }
0xb4: {  	v62 =	vmov v12;
	v14 =	vld.idx.msk [tilespmem:v58+s2+$0x0], $0xffff;
	[tilespmem:s30+$0x7900] =	vst v60  }
0xb5: {  	v12 =	vld.idx.msk [tilespmem:v17+s2+$0x0], $0xffff;
	[tilespmem:s30+$0x7980] =	vst v62;
	v17 =	vmov v9  }
0xb6: {  	s26 =	sadd.s32 $0x10, s26;
	v63 =	vmov v11;
	v9 =	vld.idx.msk [tilespmem:v61+s2+$0x0], $0xffff;
	[tilespmem:s30+$0x7A00] =	vst v17  }
0xb7: {  	s29 =	sadd.s32 $0x10, s29;
	s25 =	sadd.s32 $0x1, s25;
	s28 =	sadd.s32 $0x80, s28;
	v11 =	vld.idx.msk [tilespmem:v16+s2+$0x0], $0xffff;
	[tilespmem:s30+$0x7A80] =	vst v63  }
0xb8: {  	[tilespmem:$0x2B70] =	vst v1  }
0xb9: {  	[tilespmem:$0x2BF0] =	vst v0  }
0xba: {  	[tilespmem:$0x2C70] =	vst v2  }
0xbb: {  	[tilespmem:$0x2CF0] =	vst v3  }
0xbc: {  	[tilespmem:$0x2D70] =	vst v4  }
0xbd: {  	[tilespmem:$0x2DF0] =	vst v5  }
0xbe: {  	[tilespmem:$0x2E70] =	vst v8  }
0xbf: {  	[tilespmem:$0x2EF0] =	vst v7  }
0xc0: {  	[tilespmem:$0x8F70] =	vst v6  }
0xc1: {  	[tilespmem:$0x8FF0] =	vst v10  }
0xc2: {  	[tilespmem:$0x9070] =	vst v13  }
0xc3: {  	[tilespmem:$0x90F0] =	vst v15  }
0xc4: {  	[tilespmem:$0x9170] =	vst v14  }
0xc5: {  	[tilespmem:$0x91F0] =	vst v12  }
0xc6: {  	[tilespmem:$0x9270] =	vst v9  }
0xc7: {  	[tilespmem:$0x92F0] =	vst v11  }
0xc8: {  	[hbm4b:s5+s2] =	stream.linear.scatter [tilespmem:s14], [sflag:$0x1], $0x1C00, $0x38;
	[tilespmem:$0xDB00] =	vst v63  }
0xc9: {  	s25 =	sadd.s32 $0x18700, s5  }
0xca: {  	[hbm4b:s25+s2] =	stream.linear.scatter [tilespmem:s16], [sflag:$0x1], $0x1C00, $0x38;
	[tilespmem:$0xDB00] =	vst v63  }
0xcb: {  	v9 =	vld [tilespmem:$0xA00];
	_ =	sdelay $0x4  }
0xcc: {  	v0 =	vadd.s32 $0x64, v9  }
0xcd: {  	v2 =	vadd.s32 $0xC8, v9  }
0xce: {  	v3 =	vadd.s32 $0x12C, v9  }
0xcf: {  	v4 =	vadd.s32 $0x190, v9  }
0xd0: {  	v5 =	vadd.s32 $0x1F4, v9;
	v1 =	vld.idx.msk [tilespmem:v9+s2+$0x0], $0xffff  }
0xd1: {  	v6 =	vadd.s32 $0x258, v9;
	v0 =	vld.idx.msk [tilespmem:v0+s2+$0x0], $0xffff  }
0xd2: {  	v7 =	vadd.s32 $0x2BC, v9;
	v2 =	vld.idx.msk [tilespmem:v2+s2+$0x0], $0xffff  }
0xd3: {  	v8 =	vadd.s32 $0x320, v9;
	v3 =	vld.idx.msk [tilespmem:v3+s2+$0x0], $0xffff  }
0xd4: {  	v10 =	vadd.s32 $0x384, v9;
	v4 =	vld.idx.msk [tilespmem:v4+s2+$0x0], $0xffff  }
0xd5: {  	v11 =	vadd.s32 $0x3E8, v9;
	v5 =	vld.idx.msk [tilespmem:v5+s2+$0x0], $0xffff  }
0xd6: {  	v12 =	vadd.s32 $0x44C, v9;
	v6 =	vld.idx.msk [tilespmem:v6+s2+$0x0], $0xffff  }
0xd7: {  	v14 =	vadd.s32 $0x4B0, v9;
	v7 =	vld.idx.msk [tilespmem:v7+s2+$0x0], $0xffff  }
0xd8: {  	v16 =	vadd.s32 $0x514, v9;
	v8 =	vld.idx.msk [tilespmem:v8+s2+$0x0], $0xffff  }
0xd9: {  	v17 =	vadd.s32 $0x578, v9;
	v10 =	vld.idx.msk [tilespmem:v10+s2+$0x0], $0xffff  }
0xda: {  	v13 =	vld.idx.msk [tilespmem:v11+s2+$0x0], $0xffff;
	v11 =	vadd.s32 $0x5DC, v9  }
0xdb: {  	v15 =	vld.idx.msk [tilespmem:v12+s2+$0x0], $0xffff  }
0xdc: {  	v14 =	vld.idx.msk [tilespmem:v14+s2+$0x0], $0xffff  }
0xdd: {  	v12 =	vld.idx.msk [tilespmem:v16+s2+$0x0], $0xffff  }
0xde: {  	v9 =	vld.idx.msk [tilespmem:v17+s2+$0x0], $0xffff  }
0xdf: {  	s26 =	simm.s32 $0x380;
	s25 =	simm.s32 $0x1C00;
	v11 =	vld.idx.msk [tilespmem:v11+s2+$0x0], $0xffff  }
.LBB2_5:
0xe0: {  	s29 =	sadd.s32 $0xFFFFFC90, s26;
	s28 =	sadd.s32 $0x10, s26  }
0xe1: {  	s30 =	sand.u32 $0x780, s28;
	s29 =	sand.u32 $0x70, s29  }
0xe2: {  	s29 =	sor.u32 s29, s30  }
0xe3: {  	v16 =	vld [tilespmem:s29+$0x680];
	_ =	sdelay $0x4  }
0xe4: {  	v17 =	vadd.s32 $0x64, v16  }
0xe5: {  	v19 =	vadd.s32 $0xC8, v16  }
0xe6: {  	s31 =	sand.u32 $0x7FFFFC00, s25;
	s29 =	sand.u32 $0x7F, s26  }
0xe7: {  	v18 =	vmov v1;
	s29 =	sor.u32 s29, s31  }
0xe8: {  	v20 =	vmov v0;
	v45 =	vadd.s32 $0x12C, v16;
	v1 =	vld.idx.msk [tilespmem:v16+s2+$0x0], $0xffff;
	[tilespmem:s29+$0x1300] =	vst v18  }
0xe9: {  	v46 =	vadd.s32 $0x190, v16;
	v0 =	vld.idx.msk [tilespmem:v17+s2+$0x0], $0xffff;
	v17 =	vmov v2;
	[tilespmem:s29+$0x1380] =	vst v20  }
0xea: {  	v2 =	vld.idx.msk [tilespmem:v19+s2+$0x0], $0xffff;
	[tilespmem:s29+$0x1400] =	vst v17;
	v17 =	vadd.s32 $0x1F4, v16  }
0xeb: {  	v49 =	vadd.s32 $0x258, v16  }
0xec: {  	v47 =	vmov v3  }
0xed: {  	v48 =	vmov v4;
	v3 =	vld.idx.msk [tilespmem:v45+s2+$0x0], $0xffff;
	[tilespmem:s29+$0x1480] =	vst v47  }
0xee: {  	v50 =	vmov v5;
	v51 =	vadd.s32 $0x2BC, v16;
	v4 =	vld.idx.msk [tilespmem:v46+s2+$0x0], $0xffff;
	[tilespmem:s29+$0x1500] =	vst v48  }
0xef: {  	v52 =	vadd.s32 $0x320, v16;
	v5 =	vld.idx.msk [tilespmem:v17+s2+$0x0], $0xffff;
	v17 =	vmov v6;
	[tilespmem:s29+$0x1580] =	vst v50  }
0xf0: {  	v6 =	vld.idx.msk [tilespmem:v49+s2+$0x0], $0xffff;
	[tilespmem:s29+$0x1600] =	vst v17;
	v17 =	vadd.s32 $0x384, v16  }
0xf1: {  	v55 =	vadd.s32 $0x3E8, v16  }
0xf2: {  	v53 =	vmov v7  }
0xf3: {  	v54 =	vmov v8;
	v7 =	vld.idx.msk [tilespmem:v51+s2+$0x0], $0xffff;
	[tilespmem:s29+$0x1680] =	vst v53  }
0xf4: {  	v56 =	vmov v10;
	v57 =	vadd.s32 $0x44C, v16;
	v8 =	vld.idx.msk [tilespmem:v52+s2+$0x0], $0xffff;
	[tilespmem:s29+$0x7700] =	vst v54  }
0xf5: {  	v58 =	vadd.s32 $0x4B0, v16;
	v10 =	vld.idx.msk [tilespmem:v17+s2+$0x0], $0xffff;
	v17 =	vmov v13;
	[tilespmem:s29+$0x7780] =	vst v56  }
0xf6: {  	v13 =	vld.idx.msk [tilespmem:v55+s2+$0x0], $0xffff;
	[tilespmem:s29+$0x7800] =	vst v17;
	v17 =	vadd.s32 $0x514, v16  }
0xf7: {  	v61 =	vadd.s32 $0x578, v16  }
0xf8: {  	v59 =	vmov v15;
	p1 =	sne.s32 s26, $0x660;
	v16 =	vadd.s32 $0x5DC, v16  }
.Ltmp6:
0xf9: {  	v60 =	vmov v14;
	v15 =	vld.idx.msk [tilespmem:v57+s2+$0x0], $0xffff;
	[tilespmem:s29+$0x7880] =	vst v59;
	(pc) =	sbr.rel @p1 .LBB2_5-.Ltmp6, $4  }
0xfa: {  	v62 =	vmov v12;
	v14 =	vld.idx.msk [tilespmem:v58+s2+$0x0], $0xffff;
	[tilespmem:s29+$0x7900] =	vst v60  }
0xfb: {  	v12 =	vld.idx.msk [tilespmem:v17+s2+$0x0], $0xffff;
	[tilespmem:s29+$0x7980] =	vst v62;
	v17 =	vmov v9  }
0xfc: {  	v63 =	vmov v11;
	v9 =	vld.idx.msk [tilespmem:v61+s2+$0x0], $0xffff;
	[tilespmem:s29+$0x7A00] =	vst v17  }
0xfd: {  	s25 =	sadd.s32 $0x80, s25;
	s26 =	smov.u32 s28;
	v11 =	vld.idx.msk [tilespmem:v16+s2+$0x0], $0xffff;
	[tilespmem:s29+$0x7A80] =	vst v63  }
0xfe: {  	[tilespmem:$0x4370] =	vst v1  }
0xff: {  	[tilespmem:$0x43F0] =	vst v0  }
0x100: {  	[tilespmem:$0x4470] =	vst v2  }
0x101: {  	[tilespmem:$0x44F0] =	vst v3  }
0x102: {  	[tilespmem:$0x4570] =	vst v4  }
0x103: {  	[tilespmem:$0x45F0] =	vst v5  }
0x104: {  	[tilespmem:$0x4670] =	vst v6  }
0x105: {  	[tilespmem:$0x46F0] =	vst v7  }
0x106: {  	[tilespmem:$0xA770] =	vst v8  }
0x107: {  	[tilespmem:$0xA7F0] =	vst v10  }
0x108: {  	[tilespmem:$0xA870] =	vst v13  }
0x109: {  	[tilespmem:$0xA8F0] =	vst v15  }
0x10a: {  	[tilespmem:$0xA970] =	vst v14  }
0x10b: {  	[tilespmem:$0xA9F0] =	vst v12  }
0x10c: {  	[tilespmem:$0xAA70] =	vst v9  }
0x10d: {  	[tilespmem:$0xAAF0] =	vst v11  }
0x10e: {  	[hbm4b:s6+s2] =	stream.linear.scatter [tilespmem:s18], [sflag:$0x1], $0x1800, $0x38;
	[tilespmem:$0xDB00] =	vst v63  }
0x10f: {  	s25 =	sadd.s32 $0x18700, s6  }
0x110: {  	[hbm4b:s25+s2] =	stream.linear.scatter [tilespmem:s19], [sflag:$0x1], $0x1800, $0x38;
	[tilespmem:$0xDB00] =	vst v63  }
0x111: {  	v9 =	vld [tilespmem:$0xD00];
	_ =	sdelay $0x4  }
0x112: {  	v0 =	vadd.s32 $0x64, v9  }
0x113: {  	v2 =	vadd.s32 $0xC8, v9  }
0x114: {  	v3 =	vadd.s32 $0x12C, v9  }
0x115: {  	v4 =	vadd.s32 $0x190, v9  }
0x116: {  	v5 =	vadd.s32 $0x1F4, v9;
	v1 =	vld.idx.msk [tilespmem:v9+s2+$0x0], $0xffff  }
0x117: {  	v6 =	vadd.s32 $0x258, v9;
	v0 =	vld.idx.msk [tilespmem:v0+s2+$0x0], $0xffff  }
0x118: {  	v7 =	vadd.s32 $0x2BC, v9;
	v2 =	vld.idx.msk [tilespmem:v2+s2+$0x0], $0xffff  }
0x119: {  	v8 =	vadd.s32 $0x320, v9;
	v3 =	vld.idx.msk [tilespmem:v3+s2+$0x0], $0xffff  }
0x11a: {  	v10 =	vadd.s32 $0x384, v9;
	v4 =	vld.idx.msk [tilespmem:v4+s2+$0x0], $0xffff  }
0x11b: {  	v11 =	vadd.s32 $0x3E8, v9;
	v5 =	vld.idx.msk [tilespmem:v5+s2+$0x0], $0xffff  }
0x11c: {  	v12 =	vadd.s32 $0x44C, v9;
	v6 =	vld.idx.msk [tilespmem:v6+s2+$0x0], $0xffff  }
0x11d: {  	v14 =	vadd.s32 $0x4B0, v9;
	v7 =	vld.idx.msk [tilespmem:v7+s2+$0x0], $0xffff  }
0x11e: {  	v16 =	vadd.s32 $0x514, v9;
	v8 =	vld.idx.msk [tilespmem:v8+s2+$0x0], $0xffff  }
0x11f: {  	v17 =	vadd.s32 $0x578, v9;
	v10 =	vld.idx.msk [tilespmem:v10+s2+$0x0], $0xffff  }
0x120: {  	v13 =	vld.idx.msk [tilespmem:v11+s2+$0x0], $0xffff;
	v11 =	vadd.s32 $0x5DC, v9  }
0x121: {  	v15 =	vld.idx.msk [tilespmem:v12+s2+$0x0], $0xffff  }
0x122: {  	v14 =	vld.idx.msk [tilespmem:v14+s2+$0x0], $0xffff  }
0x123: {  	v12 =	vld.idx.msk [tilespmem:v16+s2+$0x0], $0xffff  }
0x124: {  	v9 =	vld.idx.msk [tilespmem:v17+s2+$0x0], $0xffff  }
0x125: {  	s26 =	simm.s32 $0x680;
	s25 =	simm.s32 $0x3400;
	v11 =	vld.idx.msk [tilespmem:v11+s2+$0x0], $0xffff  }
.LBB2_7:
0x126: {  	s29 =	sadd.s32 $0xFFFFF990, s26;
	s28 =	sadd.s32 $0x10, s26  }
0x127: {  	s30 =	sand.u32 $0xF80, s28;
	s29 =	sand.u32 $0x70, s29  }
0x128: {  	s29 =	sor.u32 s29, s30  }
0x129: {  	v16 =	vld [tilespmem:s29+$0x680];
	_ =	sdelay $0x4  }
0x12a: {  	v17 =	vadd.s32 $0x64, v16  }
0x12b: {  	v19 =	vadd.s32 $0xC8, v16  }
0x12c: {  	s31 =	sand.u32 $0x7FFFFC00, s25;
	s29 =	sand.u32 $0x7F, s26  }
0x12d: {  	v18 =	vmov v1;
	s29 =	sor.u32 s29, s31  }
0x12e: {  	v20 =	vmov v0;
	v45 =	vadd.s32 $0x12C, v16;
	v1 =	vld.idx.msk [tilespmem:v16+s2+$0x0], $0xffff;
	[tilespmem:s29+$0x1300] =	vst v18  }
0x12f: {  	v46 =	vadd.s32 $0x190, v16;
	v0 =	vld.idx.msk [tilespmem:v17+s2+$0x0], $0xffff;
	v17 =	vmov v2;
	[tilespmem:s29+$0x1380] =	vst v20  }
0x130: {  	v2 =	vld.idx.msk [tilespmem:v19+s2+$0x0], $0xffff;
	[tilespmem:s29+$0x1400] =	vst v17;
	v17 =	vadd.s32 $0x1F4, v16  }
0x131: {  	v49 =	vadd.s32 $0x258, v16  }
0x132: {  	v47 =	vmov v3  }
0x133: {  	v48 =	vmov v4;
	v3 =	vld.idx.msk [tilespmem:v45+s2+$0x0], $0xffff;
	[tilespmem:s29+$0x1480] =	vst v47  }
0x134: {  	v50 =	vmov v5;
	v51 =	vadd.s32 $0x2BC, v16;
	v4 =	vld.idx.msk [tilespmem:v46+s2+$0x0], $0xffff;
	[tilespmem:s29+$0x1500] =	vst v48  }
0x135: {  	v52 =	vadd.s32 $0x320, v16;
	v5 =	vld.idx.msk [tilespmem:v17+s2+$0x0], $0xffff;
	v17 =	vmov v6;
	[tilespmem:s29+$0x1580] =	vst v50  }
0x136: {  	v6 =	vld.idx.msk [tilespmem:v49+s2+$0x0], $0xffff;
	[tilespmem:s29+$0x1600] =	vst v17;
	v17 =	vadd.s32 $0x384, v16  }
0x137: {  	v55 =	vadd.s32 $0x3E8, v16  }
0x138: {  	v53 =	vmov v7  }
0x139: {  	v54 =	vmov v8;
	v7 =	vld.idx.msk [tilespmem:v51+s2+$0x0], $0xffff;
	[tilespmem:s29+$0x1680] =	vst v53  }
0x13a: {  	v56 =	vmov v10;
	v57 =	vadd.s32 $0x44C, v16;
	v8 =	vld.idx.msk [tilespmem:v52+s2+$0x0], $0xffff;
	[tilespmem:s29+$0x7700] =	vst v54  }
0x13b: {  	v58 =	vadd.s32 $0x4B0, v16;
	v10 =	vld.idx.msk [tilespmem:v17+s2+$0x0], $0xffff;
	v17 =	vmov v13;
	[tilespmem:s29+$0x7780] =	vst v56  }
0x13c: {  	v13 =	vld.idx.msk [tilespmem:v55+s2+$0x0], $0xffff;
	[tilespmem:s29+$0x7800] =	vst v17;
	v17 =	vadd.s32 $0x514, v16  }
0x13d: {  	v61 =	vadd.s32 $0x578, v16  }
0x13e: {  	v59 =	vmov v15;
	p1 =	sne.s32 s26, $0x960;
	v16 =	vadd.s32 $0x5DC, v16  }
.Ltmp7:
0x13f: {  	v60 =	vmov v14;
	v15 =	vld.idx.msk [tilespmem:v57+s2+$0x0], $0xffff;
	[tilespmem:s29+$0x7880] =	vst v59;
	(pc) =	sbr.rel @p1 .LBB2_7-.Ltmp7, $4  }
0x140: {  	v62 =	vmov v12;
	v14 =	vld.idx.msk [tilespmem:v58+s2+$0x0], $0xffff;
	[tilespmem:s29+$0x7900] =	vst v60  }
0x141: {  	v12 =	vld.idx.msk [tilespmem:v17+s2+$0x0], $0xffff;
	[tilespmem:s29+$0x7980] =	vst v62;
	v17 =	vmov v9  }
0x142: {  	v63 =	vmov v11;
	v9 =	vld.idx.msk [tilespmem:v61+s2+$0x0], $0xffff;
	[tilespmem:s29+$0x7A00] =	vst v17  }
0x143: {  	s25 =	sadd.s32 $0x80, s25;
	s26 =	smov.u32 s28;
	v11 =	vld.idx.msk [tilespmem:v16+s2+$0x0], $0xffff;
	[tilespmem:s29+$0x7A80] =	vst v63  }
0x144: {  	[tilespmem:$0x5B70] =	vst v1  }
0x145: {  	[tilespmem:$0x5BF0] =	vst v0  }
0x146: {  	[tilespmem:$0x5C70] =	vst v2  }
0x147: {  	[tilespmem:$0x5CF0] =	vst v3  }
0x148: {  	[tilespmem:$0x5D70] =	vst v4  }
0x149: {  	[tilespmem:$0x5DF0] =	vst v5  }
0x14a: {  	[tilespmem:$0x5E70] =	vst v6  }
0x14b: {  	[tilespmem:$0x5EF0] =	vst v7  }
0x14c: {  	[tilespmem:$0xBF70] =	vst v8  }
0x14d: {  	[tilespmem:$0xBFF0] =	vst v10  }
0x14e: {  	[tilespmem:$0xC070] =	vst v13  }
0x14f: {  	[tilespmem:$0xC0F0] =	vst v15  }
0x150: {  	[tilespmem:$0xC170] =	vst v14  }
0x151: {  	[tilespmem:$0xC1F0] =	vst v12  }
0x152: {  	[tilespmem:$0xC270] =	vst v9  }
0x153: {  	[tilespmem:$0xC2F0] =	vst v11  }
0x154: {  	[hbm4b:s7+s2] =	stream.linear.scatter [tilespmem:s20], [sflag:$0x1], $0x1800, $0x38;
	[tilespmem:$0xDB00] =	vst v63  }
0x155: {  	s25 =	sadd.s32 $0x18700, s7  }
0x156: {  	[hbm4b:s25+s2] =	stream.linear.scatter [tilespmem:s21], [sflag:$0x1], $0x1800, $0x38;
	[tilespmem:$0xDB00] =	vst v63  }
0x157: {  	v9 =	vld [tilespmem:$0x1000];
	_ =	sdelay $0x4  }
0x158: {  	v0 =	vadd.s32 $0x64, v9  }
0x159: {  	v2 =	vadd.s32 $0xC8, v9  }
0x15a: {  	v3 =	vadd.s32 $0x12C, v9  }
0x15b: {  	v4 =	vadd.s32 $0x190, v9  }
0x15c: {  	v5 =	vadd.s32 $0x1F4, v9;
	v1 =	vld.idx.msk [tilespmem:v9+s2+$0x0], $0xffff  }
0x15d: {  	v6 =	vadd.s32 $0x258, v9;
	v0 =	vld.idx.msk [tilespmem:v0+s2+$0x0], $0xffff  }
0x15e: {  	v7 =	vadd.s32 $0x2BC, v9;
	v2 =	vld.idx.msk [tilespmem:v2+s2+$0x0], $0xffff  }
0x15f: {  	v8 =	vadd.s32 $0x320, v9;
	v3 =	vld.idx.msk [tilespmem:v3+s2+$0x0], $0xffff  }
0x160: {  	v10 =	vadd.s32 $0x384, v9;
	v4 =	vld.idx.msk [tilespmem:v4+s2+$0x0], $0xffff  }
0x161: {  	v11 =	vadd.s32 $0x3E8, v9;
	v5 =	vld.idx.msk [tilespmem:v5+s2+$0x0], $0xffff  }
0x162: {  	v12 =	vadd.s32 $0x44C, v9;
	v6 =	vld.idx.msk [tilespmem:v6+s2+$0x0], $0xffff  }
0x163: {  	v14 =	vadd.s32 $0x4B0, v9;
	v7 =	vld.idx.msk [tilespmem:v7+s2+$0x0], $0xffff  }
0x164: {  	v16 =	vadd.s32 $0x514, v9;
	v8 =	vld.idx.msk [tilespmem:v8+s2+$0x0], $0xffff  }
0x165: {  	v17 =	vadd.s32 $0x578, v9;
	v10 =	vld.idx.msk [tilespmem:v10+s2+$0x0], $0xffff  }
0x166: {  	v13 =	vld.idx.msk [tilespmem:v11+s2+$0x0], $0xffff;
	v11 =	vadd.s32 $0x5DC, v9  }
0x167: {  	v15 =	vld.idx.msk [tilespmem:v12+s2+$0x0], $0xffff  }
0x168: {  	v14 =	vld.idx.msk [tilespmem:v14+s2+$0x0], $0xffff  }
0x169: {  	v12 =	vld.idx.msk [tilespmem:v16+s2+$0x0], $0xffff  }
0x16a: {  	v9 =	vld.idx.msk [tilespmem:v17+s2+$0x0], $0xffff  }
0x16b: {  	s26 =	simm.s32 $0x980;
	s25 =	simm.s32 $0x4C00;
	v11 =	vld.idx.msk [tilespmem:v11+s2+$0x0], $0xffff  }
.LBB2_9:
0x16c: {  	s29 =	sadd.s32 $0xFFFFF690, s26;
	s28 =	sadd.s32 $0x10, s26  }
0x16d: {  	s30 =	sand.u32 $0xF80, s28;
	s29 =	sand.u32 $0x70, s29  }
0x16e: {  	s29 =	sor.u32 s29, s30  }
0x16f: {  	v16 =	vld [tilespmem:s29+$0x680];
	_ =	sdelay $0x4  }
0x170: {  	v17 =	vadd.s32 $0x64, v16  }
0x171: {  	v19 =	vadd.s32 $0xC8, v16  }
0x172: {  	s31 =	sand.u32 $0x7FFFFC00, s25;
	s29 =	sand.u32 $0x7F, s26  }
0x173: {  	v18 =	vmov v1;
	s29 =	sor.u32 s29, s31  }
0x174: {  	v20 =	vmov v0;
	v45 =	vadd.s32 $0x12C, v16;
	v1 =	vld.idx.msk [tilespmem:v16+s2+$0x0], $0xffff;
	[tilespmem:s29+$0x1300] =	vst v18  }
0x175: {  	v46 =	vadd.s32 $0x190, v16;
	v0 =	vld.idx.msk [tilespmem:v17+s2+$0x0], $0xffff;
	v17 =	vmov v2;
	[tilespmem:s29+$0x1380] =	vst v20  }
0x176: {  	v2 =	vld.idx.msk [tilespmem:v19+s2+$0x0], $0xffff;
	[tilespmem:s29+$0x1400] =	vst v17;
	v17 =	vadd.s32 $0x1F4, v16  }
0x177: {  	v49 =	vadd.s32 $0x258, v16  }
0x178: {  	v47 =	vmov v3  }
0x179: {  	v48 =	vmov v4;
	v3 =	vld.idx.msk [tilespmem:v45+s2+$0x0], $0xffff;
	[tilespmem:s29+$0x1480] =	vst v47  }
0x17a: {  	v50 =	vmov v5;
	v51 =	vadd.s32 $0x2BC, v16;
	v4 =	vld.idx.msk [tilespmem:v46+s2+$0x0], $0xffff;
	[tilespmem:s29+$0x1500] =	vst v48  }
0x17b: {  	v52 =	vadd.s32 $0x320, v16;
	v5 =	vld.idx.msk [tilespmem:v17+s2+$0x0], $0xffff;
	v17 =	vmov v6;
	[tilespmem:s29+$0x1580] =	vst v50  }
0x17c: {  	v6 =	vld.idx.msk [tilespmem:v49+s2+$0x0], $0xffff;
	[tilespmem:s29+$0x1600] =	vst v17;
	v17 =	vadd.s32 $0x384, v16  }
0x17d: {  	v55 =	vadd.s32 $0x3E8, v16  }
0x17e: {  	v53 =	vmov v7  }
0x17f: {  	v54 =	vmov v8;
	v7 =	vld.idx.msk [tilespmem:v51+s2+$0x0], $0xffff;
	[tilespmem:s29+$0x1680] =	vst v53  }
0x180: {  	v56 =	vmov v10;
	v57 =	vadd.s32 $0x44C, v16;
	v8 =	vld.idx.msk [tilespmem:v52+s2+$0x0], $0xffff;
	[tilespmem:s29+$0x7700] =	vst v54  }
0x181: {  	v58 =	vadd.s32 $0x4B0, v16;
	v10 =	vld.idx.msk [tilespmem:v17+s2+$0x0], $0xffff;
	v17 =	vmov v13;
	[tilespmem:s29+$0x7780] =	vst v56  }
0x182: {  	v13 =	vld.idx.msk [tilespmem:v55+s2+$0x0], $0xffff;
	[tilespmem:s29+$0x7800] =	vst v17;
	v17 =	vadd.s32 $0x514, v16  }
0x183: {  	v61 =	vadd.s32 $0x578, v16  }
0x184: {  	v59 =	vmov v15;
	p1 =	sne.s32 s26, $0xC60;
	v16 =	vadd.s32 $0x5DC, v16  }
.Ltmp8:
0x185: {  	v60 =	vmov v14;
	v15 =	vld.idx.msk [tilespmem:v57+s2+$0x0], $0xffff;
	[tilespmem:s29+$0x7880] =	vst v59;
	(pc) =	sbr.rel @p1 .LBB2_9-.Ltmp8, $4  }
0x186: {  	v62 =	vmov v12;
	v14 =	vld.idx.msk [tilespmem:v58+s2+$0x0], $0xffff;
	[tilespmem:s29+$0x7900] =	vst v60  }
0x187: {  	v12 =	vld.idx.msk [tilespmem:v17+s2+$0x0], $0xffff;
	[tilespmem:s29+$0x7980] =	vst v62;
	v17 =	vmov v9  }
0x188: {  	v63 =	vmov v11;
	v9 =	vld.idx.msk [tilespmem:v61+s2+$0x0], $0xffff;
	[tilespmem:s29+$0x7A00] =	vst v17  }
0x189: {  	s25 =	sadd.s32 $0x80, s25;
	s26 =	smov.u32 s28;
	v11 =	vld.idx.msk [tilespmem:v16+s2+$0x0], $0xffff;
	[tilespmem:s29+$0x7A80] =	vst v63  }
.Ltmp9:
0x18a: {  	_ = 	snop;
	(pc) =	sbr.rel .LBB2_10-.Ltmp9, $1  }
0x18b: {  	_ =	sdelay $0x3  }
.LBB2_15:
0x18c: {  	_ =	sfence.sel $0x180000  }
0x18d: {  	[bflag:$0x0] =	sbarrier.arrive $0xFFFF  }
0x18e: {  	p0 =	sne.s32 s1, $0x0;
	_ =	strace $0x90000047  }
0x18f: {  	s0 =	sadd.s32 @!p0 $0x100000, s0;
	[bflag:$0x2] =	sbarrier.arrive $0xFFFF  }
0x190: {  	[sflag:s0] =	ssyncadd.tile.s32 @!p0 $0x1;
	_ =	shalt  }
.Lfunc_end2:
_tile_overlayer_lowered:
.L_overlay_start_2:
0x191: {  	(tag) =	ssettag $0x2  }
0x192: {  	s0 =	rddreg [dreg:$0x0];
	s2 =	stileid.u32  }
0x193: {  	s1 =	rddreg [dreg:$0x1];
	p0 =	sne.s32 s2, $0x0  }
0x194: {  	s3 =	rddreg [dreg:$0x2];
	[bflag:$0x3] =	sbarrier.arrive $0xFFFF;
	s2 =	simm.s32 @!p0 $0x1C02  }
0x195: {  	[timem:s3], [sflag:s2] =	dma.local @!p0 [hbm:s0], s1  }
0x196: {  	s0 =	simm.s32 @!p0 $0x2  }
0x197: {  	_ =	swait.ge @!p0 [sflag:s0], s1  }
0x198: {  	s1 =	ssub.s32 @!p0 $0x0, s1;
	[sflag:s0] =	ssyncset.done @!p0 $0x0  }
0x199: {  	[sflag:s0] =	ssyncadd.s32 @!p0 s1  }
0x19a: {  	[bflag:$0x3] =	sbarrier.arrive $0xFFFF  }
0x19b: {  	_ =	shalt  }

</sc_bundles>
